<compile_context>
chip_gen: v7x
topology: tpu7x:2x2x1
jax: 0.10.2.dev20260603
libtpu: 0.0.44.dev20260713+nightly
codegen_flags: <defaults>
</compile_context>

<pallas_src>
import jax
import jax.numpy as jnp
from jax.experimental import pallas as pl

B, F, D, N, C, NEIGH = 8, 256, 128, 512, 4, 32
FB = 16


def _bmm_bf16(a, b):
    return jax.lax.dot_general(
        a.astype(jnp.bfloat16), b.astype(jnp.bfloat16),
        (((2,), (1,)), ((0,), (0,))), preferred_element_type=jnp.float32)


def _mlp_body(x_ref, w1_ref, b1_ref, w2_ref, b2_ref, out_ref):
    w1n = w1_ref[...]
    w2n = w2_ref[...]
    x = x_ref[...]
    h = _bmm_bf16(x, w1n) + b1_ref[...][:, None, :]
    h = 0.5 * h * (1.0 + jax.lax.erf(h / (2.0 ** 0.5)))
    out_ref[...] = _bmm_bf16(h, w2n) + b2_ref[...][:, None, :]


def _edge_body(nf_ref, qkw_ref, edge_ref):
    nf = nf_ref[0]
    qkw = qkw_ref[...]
    qk = jnp.dot(nf, qkw, preferred_element_type=jnp.float32)
    scale = F ** -0.5
    attns = []
    se = jnp.zeros((N, N), jnp.float32)
    for c in range(C):
        q = qk[:, c * F:(c + 1) * F]
        k = qk[:, (C + c) * F:(C + c + 1) * F]
        lg = jax.lax.dot_general(q, k, (((1,), (1,)), ((), ())),
                                 preferred_element_type=jnp.float32) * scale
        m = jnp.max(lg, axis=1, keepdims=True)
        ex = jnp.exp(lg - m)
        at = ex / jnp.sum(ex, axis=1, keepdims=True)
        attns.append(at)
        se = se + at

    bits = jax.lax.bitcast_convert_type(se, jnp.int32)

    def bis(_, carry):
        lo, hi = carry
        mid = lo + ((hi - lo) >> 1)
        cnt = jnp.sum((bits >= mid).astype(jnp.int32), axis=1, keepdims=True)
        ge = cnt >= NEIGH
        return jnp.where(ge, mid, lo), jnp.where(ge, hi, mid)

    lo = jnp.zeros((N, 1), jnp.int32)
    hi = jnp.full((N, 1), 0x7f800000, jnp.int32)
    lo, hi = jax.lax.fori_loop(0, 32, bis, (lo, hi))

    row = jax.lax.broadcasted_iota(jnp.int32, (N, N), 0)
    col = jax.lax.broadcasted_iota(jnp.int32, (N, N), 1)
    gt = bits > lo
    eq = bits == lo
    eqf = eq.astype(jnp.float32)
    need = (NEIGH - jnp.sum(gt.astype(jnp.int32), axis=1, keepdims=True)
            ).astype(jnp.float32)
    slt = (row < col).astype(jnp.float32)
    cumex = jax.lax.dot_general(eqf, slt, (((1,), (0,)), ((), ())),
                                preferred_element_type=jnp.float32)
    mask = jnp.where(gt | (eq & (cumex < need)) | (row == col), 1.0, 0.0)

    for c in range(C):
        e = mask * attns[c]
        nr = e / (jnp.sum(e, axis=1, keepdims=True) + 1e-6)
        nc = nr / (jnp.sum(nr, axis=0, keepdims=True) + 1e-6)
        edge_ref[0, c] = jax.lax.dot_general(
            nr, nc, (((1,), (1,)), ((), ())), preferred_element_type=jnp.float32)


def _spectral_normalize_xla(w):
    s = jnp.linalg.svd(w, compute_uv=False)[..., 0]
    s = jnp.maximum(s, 1e-6)
    return w / jax.lax.stop_gradient(s)[:, None, None]


def kernel(inputs, weight1, bias1, weight2, bias2, qk_weight):
    w1n = _spectral_normalize_xla(weight1)
    w2n = _spectral_normalize_xla(weight2)
    x_t = jnp.swapaxes(inputs, 0, 1)
    b1 = bias1[:, 0, :]
    b2 = bias2[:, 0, :]

    conv = pl.pallas_call(
        _mlp_body,
        grid=(F // FB,),
        in_specs=[
            pl.BlockSpec((FB, B, D), lambda i: (i, 0, 0)),
            pl.BlockSpec((FB, D, D), lambda i: (i, 0, 0)),
            pl.BlockSpec((FB, D), lambda i: (i, 0)),
            pl.BlockSpec((FB, D, N), lambda i: (i, 0, 0)),
            pl.BlockSpec((FB, N), lambda i: (i, 0)),
        ],
        out_specs=pl.BlockSpec((FB, B, N), lambda i: (i, 0, 0)),
        out_shape=jax.ShapeDtypeStruct((F, B, N), jnp.float32),
    )(x_t, w1n, b1, w2n, b2)

    node_features = jnp.transpose(conv, (1, 2, 0))
    qkw_t = qk_weight.T

    edge = pl.pallas_call(
        _edge_body,
        grid=(B,),
        in_specs=[
            pl.BlockSpec((1, N, F), lambda b: (b, 0, 0)),
            pl.BlockSpec((F, 2 * C * F), lambda b: (0, 0)),
        ],
        out_specs=pl.BlockSpec((1, C, N, N), lambda b: (b, 0, 0, 0)),
        out_shape=jax.ShapeDtypeStruct((B, C, N, N), jnp.float32),
    )(node_features, qkw_t)

    return node_features, edge

# --- scband reference (transcript-rebuilt; emitter-appended) ---
"""Pipeline reference for scband-regnncognitive-processor-47382079209915 (READ-ONLY COPY).

The authoritative reference and input builder live on the scoring server;
editing this copy changes nothing except your own understanding.
"""

import jax, jax.numpy as jnp
import numpy as np

B, F, D, N, C, NEIGH = 8, 256, 128, 512, 4, 32


def setup_inputs(seed: int = 0) -> dict:
    key = jax.random.key(seed)
    ks = jax.random.split(key, 5)
    inputs = jax.random.normal(ks[0], (B, F, D), dtype=jnp.float32)
    weight1 = jax.random.uniform(ks[1], (F, D, D), jnp.float32, -1.0, 1.0) * (1.0 / np.sqrt(D))
    bias1 = jnp.zeros((F, 1, D), dtype=jnp.float32)
    weight2 = jax.random.uniform(ks[2], (F, D, N), jnp.float32, -1.0, 1.0) * (1.0 / np.sqrt(D))
    bias2 = jnp.zeros((F, 1, N), dtype=jnp.float32)
    qk_weight = jax.random.uniform(ks[3], (2 * C * F, F), jnp.float32, -1.0, 1.0) * (1.0 / np.sqrt(F))
    return {"inputs": inputs, "weight1": weight1, "bias1": bias1,
            "weight2": weight2, "bias2": bias2, "qk_weight": qk_weight}


def _spectral_normalize(w):
    s = jnp.linalg.svd(w, compute_uv=False)[..., 0]
    s = jnp.maximum(s, 1e-6)
    return w / jax.lax.stop_gradient(s)[:, None, None]


def _norm_edge(edge):
    norm_row = edge / (edge.sum(axis=-1, keepdims=True) + 1e-6)
    norm_col = norm_row / (norm_row.sum(axis=-2, keepdims=True) + 1e-6)
    return jnp.matmul(norm_row, jnp.swapaxes(norm_col, -1, -2))


def _forward(inputs, weight1, bias1, weight2, bias2, qk_weight):
    # MultiNodeMlp with in-place spectral norm (norm treated as constant)
    w1 = _spectral_normalize(weight1)
    w2 = _spectral_normalize(weight2)
    out = jnp.matmul(inputs[:, :, None, :], w1) + bias1          # [B, F, 1, D]
    out = jax.nn.gelu(out[:, :, 0, :], approximate=False)[:, :, None, :]
    out = jnp.matmul(out, w2) + bias2                            # [B, F, 1, N]
    converted = out[:, :, 0, :]                                  # [B, F, N]
    node_features = jnp.swapaxes(converted, 1, 2)                # [B, N, F]

    # EdgeLayer
    bsz, num_nodes, fdim = node_features.shape
    qk = node_features @ qk_weight.T                             # [B, N, 2*C*F]
    qk = qk.reshape(bsz, num_nodes, 2, C, fdim).transpose(2, 0, 3, 1, 4)
    q, k = qk[0], qk[1]                                          # [B, C, N, F]
    attn = jnp.matmul(q, jnp.swapaxes(k, -2, -1)) * (fdim ** -0.5)
    attn = jax.nn.softmax(attn, axis=-1)                         # [B, C, N, N]

    # clip: top-k over channel-summed (detached) attention
    sum_edge = jax.lax.stop_gradient(attn).sum(axis=1)           # [B, N, N]
    kk = min(NEIGH, num_nodes)
    _, top_idx = jax.lax.top_k(sum_edge, kk)                     # [B, N, kk]
    mask = jnp.broadcast_to(jnp.eye(num_nodes, dtype=attn.dtype), (bsz, num_nodes, num_nodes))
    bidx = jnp.arange(bsz)[:, None, None]
    ridx = jnp.arange(num_nodes)[None, :, None]
    mask = mask.at[bidx, ridx, top_idx].set(1.0)                 # [B, N, N]
    edge = _norm_edge(mask[:, None, :, :] * attn)                # [B, C, N, N]
    return node_features, edge


def reference(inputs, weight1, bias1, weight2, bias2, qk_weight):
    return _forward(inputs, weight1, bias1, weight2, bias2, qk_weight)

if __name__ == "__main__":
    import jax
    _d = setup_inputs()
    print(jax.jit(kernel)(*tuple(_d.values())))

</pallas_src>

<mosaic_0001>
module attributes {stable_mosaic.version = 14 : i64} {
  func.func @_mlp_body(%arg0: i32, %arg1: memref<16x8x128xf32, #tpu.memory_space<vmem>>, %arg2: memref<16x128x128xf32, #tpu.memory_space<vmem>>, %arg3: memref<16x128xf32, #tpu.memory_space<vmem>>, %arg4: memref<16x128x512xf32, #tpu.memory_space<vmem>>, %arg5: memref<16x512xf32, #tpu.memory_space<vmem>>, %arg6: memref<16x8x512xf32, #tpu.memory_space<vmem>>) attributes {dimension_semantics = [#tpu.dimension_semantics<arbitrary>], iteration_bounds = array<i64: 16>, scalar_prefetch = 0 : i64, scratch_operands = 0 : i64, tpu.core_type = #tpu.core_type<tc>, window_params = [{transform_indices = @transform_0, window_bounds = array<i64: 16, 8, 128>}, {transform_indices = @transform_1, window_bounds = array<i64: 16, 128, 128>}, {transform_indices = @transform_2, window_bounds = array<i64: 16, 128>}, {transform_indices = @transform_3, window_bounds = array<i64: 16, 128, 512>}, {transform_indices = @transform_4, window_bounds = array<i64: 16, 512>}, {transform_indices = @transform_5, window_bounds = array<i64: 16, 8, 512>}]} {
    %get3A = arith.constant 0 : index
    %get3A_0 = arith.constant 0 : index
    %get3A_1 = arith.constant 0 : index
    %get3A_2 = vector.load %arg2[%get3A, %get3A_0, %get3A_1] : memref<16x128x128xf32, #tpu.memory_space<vmem>>, vector<16x128x128xf32>
    %get3A_3 = arith.constant 0 : index
    %get3A_4 = arith.constant 0 : index
    %get3A_5 = arith.constant 0 : index
    %get3A_6 = vector.load %arg4[%get3A_3, %get3A_4, %get3A_5] : memref<16x128x512xf32, #tpu.memory_space<vmem>>, vector<16x128x512xf32>
    %get3A_7 = arith.constant 0 : index
    %get3A_8 = arith.constant 0 : index
    %get3A_9 = arith.constant 0 : index
    %get3A_10 = vector.load %arg1[%get3A_7, %get3A_8, %get3A_9] : memref<16x8x128xf32, #tpu.memory_space<vmem>>, vector<16x8x128xf32>
    %convert_element_type3A = arith.truncf %get3A_10 : vector<16x8x128xf32> to vector<16x8x128xbf16>
    %convert_element_type3A_11 = arith.truncf %get3A_2 : vector<16x128x128xf32> to vector<16x128x128xbf16>
    %dot_general3A = arith.constant dense<0.000000e+00> : vector<16x8x128xf32>
    %dot_general3A_12 = tpu.matmul %convert_element_type3A, %convert_element_type3A_11, %dot_general3A {dimension_numbers = #tpu.dot_dimension_numbers<[2], [1], [1], [2], [0, 0, 0, 1, 1, 2], [0], [0]>, transpose_lhs_hint = false} : vector<16x8x128xbf16>, vector<16x128x128xbf16>, vector<16x8x128xf32> -> vector<16x8x128xf32>
    %get3A_13 = arith.constant 0 : index
    %get3A_14 = arith.constant 0 : index
    %get3A_15 = vector.load %arg3[%get3A_13, %get3A_14] : memref<16x128xf32, #tpu.memory_space<vmem>>, vector<16x128xf32>
    %broadcast_in_dim3A = vector.shape_cast %get3A_15 : vector<16x128xf32> to vector<16x1x128xf32>
    %add3A = vector.broadcast %broadcast_in_dim3A : vector<16x1x128xf32> to vector<16x8x128xf32>
    %add3A_16 = arith.addf %dot_general3A_12, %add3A : vector<16x8x128xf32>
    %mul3A = arith.constant 5.000000e-01 : f32
    %mul3A_17 = vector.broadcast %mul3A : f32 to vector<16x8x128xf32>
    %mul3A_18 = arith.mulf %mul3A_17, %add3A_16 : vector<16x8x128xf32>
    %div3A = arith.constant 1.41421354 : f32
    %div3A_19 = vector.broadcast %div3A : f32 to vector<16x8x128xf32>
    %div3A_20 = arith.divf %add3A_16, %div3A_19 : vector<16x8x128xf32>
    %erf3A = math.erf %div3A_20 : vector<16x8x128xf32>
    %add3A_21 = arith.constant 1.000000e+00 : f32
    %add3A_22 = vector.broadcast %add3A_21 : f32 to vector<16x8x128xf32>
    %add3A_23 = arith.addf %add3A_22, %erf3A : vector<16x8x128xf32>
    %mul3A_24 = arith.mulf %mul3A_18, %add3A_23 : vector<16x8x128xf32>
    %convert_element_type3A_25 = arith.truncf %mul3A_24 : vector<16x8x128xf32> to vector<16x8x128xbf16>
    %convert_element_type3A_26 = arith.truncf %get3A_6 : vector<16x128x512xf32> to vector<16x128x512xbf16>
    %dot_general3A_27 = arith.constant dense<0.000000e+00> : vector<16x8x512xf32>
    %dot_general3A_28 = tpu.matmul %convert_element_type3A_25, %convert_element_type3A_26, %dot_general3A_27 {dimension_numbers = #tpu.dot_dimension_numbers<[2], [1], [1], [2], [0, 0, 0, 1, 1, 2], [0], [0]>, transpose_lhs_hint = false} : vector<16x8x128xbf16>, vector<16x128x512xbf16>, vector<16x8x512xf32> -> vector<16x8x512xf32>
    %get3A_29 = arith.constant 0 : index
    %get3A_30 = arith.constant 0 : index
    %get3A_31 = vector.load %arg5[%get3A_29, %get3A_30] : memref<16x512xf32, #tpu.memory_space<vmem>>, vector<16x512xf32>
    %broadcast_in_dim3A_32 = vector.shape_cast %get3A_31 : vector<16x512xf32> to vector<16x1x512xf32>
    %add3A_33 = vector.broadcast %broadcast_in_dim3A_32 : vector<16x1x512xf32> to vector<16x8x512xf32>
    %add3A_34 = arith.addf %dot_general3A_28, %add3A_33 : vector<16x8x512xf32>
    %swap3A = arith.constant 0 : index
    %swap3A_35 = arith.constant 0 : index
    %swap3A_36 = arith.constant 0 : index
    %swap3A_37 = vector.load %arg6[%swap3A, %swap3A_35, %swap3A_36] : memref<16x8x512xf32, #tpu.memory_space<vmem>>, vector<16x8x512xf32>
    tpu.vector_store %arg6[%swap3A, %swap3A_35, %swap3A_36], %add3A_34 {strides = array<i32>} : memref<16x8x512xf32, #tpu.memory_space<vmem>>, vector<16x8x512xf32>,
    return
  }
  func.func @transform_0(%arg0: i32) -> (i32, i32, i32) {
    %c0_i32 = arith.constant 0 : i32
    %c0_i32_0 = arith.constant 0 : i32
    %c0_i32_1 = arith.constant 0 : i32
    return %arg0, %c0_i32, %c0_i32_0 : i32, i32, i32
  }
  func.func @transform_1(%arg0: i32) -> (i32, i32, i32) {
    %c0_i32 = arith.constant 0 : i32
    %c0_i32_0 = arith.constant 0 : i32
    %c0_i32_1 = arith.constant 0 : i32
    return %arg0, %c0_i32, %c0_i32_0 : i32, i32, i32
  }
  func.func @transform_2(%arg0: i32) -> (i32, i32) {
    %c0_i32 = arith.constant 0 : i32
    %c0_i32_0 = arith.constant 0 : i32
    return %arg0, %c0_i32 : i32, i32
  }
  func.func @transform_3(%arg0: i32) -> (i32, i32, i32) {
    %c0_i32 = arith.constant 0 : i32
    %c0_i32_0 = arith.constant 0 : i32
    %c0_i32_1 = arith.constant 0 : i32
    return %arg0, %c0_i32, %c0_i32_0 : i32, i32, i32
  }
  func.func @transform_4(%arg0: i32) -> (i32, i32) {
    %c0_i32 = arith.constant 0 : i32
    %c0_i32_0 = arith.constant 0 : i32
    return %arg0, %c0_i32 : i32, i32
  }
  func.func @transform_5(%arg0: i32) -> (i32, i32, i32) {
    %c0_i32 = arith.constant 0 : i32
    %c0_i32_0 = arith.constant 0 : i32
    %c0_i32_1 = arith.constant 0 : i32
    return %arg0, %c0_i32, %c0_i32_0 : i32, i32, i32
  }
}

module attributes {stable_mosaic.version = 14 : i64} {
  func.func @_edge_body(%arg0: i32, %arg1: memref<1x512x256xf32, #tpu.memory_space<vmem>>, %arg2: memref<256x2048xf32, #tpu.memory_space<vmem>>, %arg3: memref<1x4x512x512xf32, #tpu.memory_space<vmem>>) attributes {dimension_semantics = [#tpu.dimension_semantics<arbitrary>], iteration_bounds = array<i64: 8>, scalar_prefetch = 0 : i64, scratch_operands = 0 : i64, tpu.core_type = #tpu.core_type<tc>, window_params = [{transform_indices = @transform_0, window_bounds = array<i64: 1, 512, 256>}, {pipeline_mode = #tpu.pipeline_mode<synchronous>, transform_indices = @transform_1, window_bounds = array<i64: 256, 2048>}, {transform_indices = @transform_2, window_bounds = array<i64: 1, 4, 512, 512>}]} {
    %get3A = arith.constant 0 : index
    %get3A_0 = arith.constant 0 : index
    %get3A_1 = arith.constant 0 : index
    %get3A_2 = vector.load %arg1[%get3A, %get3A_0, %get3A_1] : memref<1x512x256xf32, #tpu.memory_space<vmem>>, vector<1x512x256xf32>
    %get3A_3 = vector.shape_cast %get3A_2 : vector<1x512x256xf32> to vector<512x256xf32>
    %get3A_4 = arith.constant 0 : index
    %get3A_5 = arith.constant 0 : index
    %get3A_6 = vector.load %arg2[%get3A_4, %get3A_5] : memref<256x2048xf32, #tpu.memory_space<vmem>>, vector<256x2048xf32>
    %dot_general3A = arith.constant dense<0.000000e+00> : vector<512x2048xf32>
    %dot_general3A_7 = tpu.matmul %get3A_3, %get3A_6, %dot_general3A {dimension_numbers = #tpu.dot_dimension_numbers<[1], [0], [0], [1], [0, 0, 1, 1], [], []>, transpose_lhs_hint = false} : vector<512x256xf32>, vector<256x2048xf32>, vector<512x2048xf32> -> vector<512x2048xf32>
    %broadcast_in_dim3A = arith.constant 0.000000e+00 : f32
    %broadcast_in_dim3A_8 = vector.broadcast %broadcast_in_dim3A : f32 to vector<512x512xf32>
    %slice3A = vector.extract_strided_slice %dot_general3A_7 {offsets = [0, 0], sizes = [512, 256], strides = [1, 1]} : vector<512x2048xf32> to vector<512x256xf32>
    %slice3A_9 = vector.extract_strided_slice %dot_general3A_7 {offsets = [0, 1024], sizes = [512, 256], strides = [1, 1]} : vector<512x2048xf32> to vector<512x256xf32>
    %dot_general3A_10 = arith.constant dense<0.000000e+00> : vector<512x512xf32>
    %dot_general3A_11 = tpu.matmul %slice3A, %slice3A_9, %dot_general3A_10 {dimension_numbers = #tpu.dot_dimension_numbers<[1], [1], [0], [0], [0, 0, 1, 0], [], []>, transpose_lhs_hint = false} : vector<512x256xf32>, vector<512x256xf32>, vector<512x512xf32> -> vector<512x512xf32>
    %mul3A = arith.constant 6.250000e-02 : f32
    %mul3A_12 = vector.broadcast %mul3A : f32 to vector<512x512xf32>
    %mul3A_13 = arith.mulf %dot_general3A_11, %mul3A_12 : vector<512x512xf32>
    %reduce_max3A = arith.constant dense<0xFF800000> : vector<512xf32>
    %reduce_max3A_14 = vector.multi_reduction <maximumf>, %mul3A_13, %reduce_max3A [1] : vector<512x512xf32> to vector<512xf32>
    %broadcast_in_dim3A_15 = vector.shape_cast %reduce_max3A_14 : vector<512xf32> to vector<512x1xf32>
    %sub3A = vector.broadcast %broadcast_in_dim3A_15 : vector<512x1xf32> to vector<512x512xf32>
    %sub3A_16 = arith.subf %mul3A_13, %sub3A : vector<512x512xf32>
    %exp3A = math.exp %sub3A_16 : vector<512x512xf32>
    %reduce_sum3A = arith.constant dense<0.000000e+00> : vector<512xf32>
    %reduce_sum3A_17 = vector.multi_reduction <add>, %exp3A, %reduce_sum3A [1] : vector<512x512xf32> to vector<512xf32>
    %broadcast_in_dim3A_18 = vector.shape_cast %reduce_sum3A_17 : vector<512xf32> to vector<512x1xf32>
    %div3A = vector.broadcast %broadcast_in_dim3A_18 : vector<512x1xf32> to vector<512x512xf32>
    %div3A_19 = arith.divf %exp3A, %div3A : vector<512x512xf32>
    %add3A = arith.addf %broadcast_in_dim3A_8, %div3A_19 : vector<512x512xf32>
    %slice3A_20 = vector.extract_strided_slice %dot_general3A_7 {offsets = [0, 256], sizes = [512, 256], strides = [1, 1]} : vector<512x2048xf32> to vector<512x256xf32>
    %slice3A_21 = vector.extract_strided_slice %dot_general3A_7 {offsets = [0, 1280], sizes = [512, 256], strides = [1, 1]} : vector<512x2048xf32> to vector<512x256xf32>
    %dot_general3A_22 = arith.constant dense<0.000000e+00> : vector<512x512xf32>
    %dot_general3A_23 = tpu.matmul %slice3A_20, %slice3A_21, %dot_general3A_22 {dimension_numbers = #tpu.dot_dimension_numbers<[1], [1], [0], [0], [0, 0, 1, 0], [], []>, transpose_lhs_hint = false} : vector<512x256xf32>, vector<512x256xf32>, vector<512x512xf32> -> vector<512x512xf32>
    %mul3A_24 = arith.constant 6.250000e-02 : f32
    %mul3A_25 = vector.broadcast %mul3A_24 : f32 to vector<512x512xf32>
    %mul3A_26 = arith.mulf %dot_general3A_23, %mul3A_25 : vector<512x512xf32>
    %reduce_max3A_27 = arith.constant dense<0xFF800000> : vector<512xf32>
    %reduce_max3A_28 = vector.multi_reduction <maximumf>, %mul3A_26, %reduce_max3A_27 [1] : vector<512x512xf32> to vector<512xf32>
    %broadcast_in_dim3A_29 = vector.shape_cast %reduce_max3A_28 : vector<512xf32> to vector<512x1xf32>
    %sub3A_30 = vector.broadcast %broadcast_in_dim3A_29 : vector<512x1xf32> to vector<512x512xf32>
    %sub3A_31 = arith.subf %mul3A_26, %sub3A_30 : vector<512x512xf32>
    %exp3A_32 = math.exp %sub3A_31 : vector<512x512xf32>
    %reduce_sum3A_33 = arith.constant dense<0.000000e+00> : vector<512xf32>
    %reduce_sum3A_34 = vector.multi_reduction <add>, %exp3A_32, %reduce_sum3A_33 [1] : vector<512x512xf32> to vector<512xf32>
    %broadcast_in_dim3A_35 = vector.shape_cast %reduce_sum3A_34 : vector<512xf32> to vector<512x1xf32>
    %div3A_36 = vector.broadcast %broadcast_in_dim3A_35 : vector<512x1xf32> to vector<512x512xf32>
    %div3A_37 = arith.divf %exp3A_32, %div3A_36 : vector<512x512xf32>
    %add3A_38 = arith.addf %add3A, %div3A_37 : vector<512x512xf32>
    %slice3A_39 = vector.extract_strided_slice %dot_general3A_7 {offsets = [0, 512], sizes = [512, 256], strides = [1, 1]} : vector<512x2048xf32> to vector<512x256xf32>
    %slice3A_40 = vector.extract_strided_slice %dot_general3A_7 {offsets = [0, 1536], sizes = [512, 256], strides = [1, 1]} : vector<512x2048xf32> to vector<512x256xf32>
    %dot_general3A_41 = arith.constant dense<0.000000e+00> : vector<512x512xf32>
    %dot_general3A_42 = tpu.matmul %slice3A_39, %slice3A_40, %dot_general3A_41 {dimension_numbers = #tpu.dot_dimension_numbers<[1], [1], [0], [0], [0, 0, 1, 0], [], []>, transpose_lhs_hint = false} : vector<512x256xf32>, vector<512x256xf32>, vector<512x512xf32> -> vector<512x512xf32>
    %mul3A_43 = arith.constant 6.250000e-02 : f32
    %mul3A_44 = vector.broadcast %mul3A_43 : f32 to vector<512x512xf32>
    %mul3A_45 = arith.mulf %dot_general3A_42, %mul3A_44 : vector<512x512xf32>
    %reduce_max3A_46 = arith.constant dense<0xFF800000> : vector<512xf32>
    %reduce_max3A_47 = vector.multi_reduction <maximumf>, %mul3A_45, %reduce_max3A_46 [1] : vector<512x512xf32> to vector<512xf32>
    %broadcast_in_dim3A_48 = vector.shape_cast %reduce_max3A_47 : vector<512xf32> to vector<512x1xf32>
    %sub3A_49 = vector.broadcast %broadcast_in_dim3A_48 : vector<512x1xf32> to vector<512x512xf32>
    %sub3A_50 = arith.subf %mul3A_45, %sub3A_49 : vector<512x512xf32>
    %exp3A_51 = math.exp %sub3A_50 : vector<512x512xf32>
    %reduce_sum3A_52 = arith.constant dense<0.000000e+00> : vector<512xf32>
    %reduce_sum3A_53 = vector.multi_reduction <add>, %exp3A_51, %reduce_sum3A_52 [1] : vector<512x512xf32> to vector<512xf32>
    %broadcast_in_dim3A_54 = vector.shape_cast %reduce_sum3A_53 : vector<512xf32> to vector<512x1xf32>
    %div3A_55 = vector.broadcast %broadcast_in_dim3A_54 : vector<512x1xf32> to vector<512x512xf32>
    %div3A_56 = arith.divf %exp3A_51, %div3A_55 : vector<512x512xf32>
    %add3A_57 = arith.addf %add3A_38, %div3A_56 : vector<512x512xf32>
    %slice3A_58 = vector.extract_strided_slice %dot_general3A_7 {offsets = [0, 768], sizes = [512, 256], strides = [1, 1]} : vector<512x2048xf32> to vector<512x256xf32>
    %slice3A_59 = vector.extract_strided_slice %dot_general3A_7 {offsets = [0, 1792], sizes = [512, 256], strides = [1, 1]} : vector<512x2048xf32> to vector<512x256xf32>
    %dot_general3A_60 = arith.constant dense<0.000000e+00> : vector<512x512xf32>
    %dot_general3A_61 = tpu.matmul %slice3A_58, %slice3A_59, %dot_general3A_60 {dimension_numbers = #tpu.dot_dimension_numbers<[1], [1], [0], [0], [0, 0, 1, 0], [], []>, transpose_lhs_hint = false} : vector<512x256xf32>, vector<512x256xf32>, vector<512x512xf32> -> vector<512x512xf32>
    %mul3A_62 = arith.constant 6.250000e-02 : f32
    %mul3A_63 = vector.broadcast %mul3A_62 : f32 to vector<512x512xf32>
    %mul3A_64 = arith.mulf %dot_general3A_61, %mul3A_63 : vector<512x512xf32>
    %reduce_max3A_65 = arith.constant dense<0xFF800000> : vector<512xf32>
    %reduce_max3A_66 = vector.multi_reduction <maximumf>, %mul3A_64, %reduce_max3A_65 [1] : vector<512x512xf32> to vector<512xf32>
    %broadcast_in_dim3A_67 = vector.shape_cast %reduce_max3A_66 : vector<512xf32> to vector<512x1xf32>
    %sub3A_68 = vector.broadcast %broadcast_in_dim3A_67 : vector<512x1xf32> to vector<512x512xf32>
    %sub3A_69 = arith.subf %mul3A_64, %sub3A_68 : vector<512x512xf32>
    %exp3A_70 = math.exp %sub3A_69 : vector<512x512xf32>
    %reduce_sum3A_71 = arith.constant dense<0.000000e+00> : vector<512xf32>
    %reduce_sum3A_72 = vector.multi_reduction <add>, %exp3A_70, %reduce_sum3A_71 [1] : vector<512x512xf32> to vector<512xf32>
    %broadcast_in_dim3A_73 = vector.shape_cast %reduce_sum3A_72 : vector<512xf32> to vector<512x1xf32>
    %div3A_74 = vector.broadcast %broadcast_in_dim3A_73 : vector<512x1xf32> to vector<512x512xf32>
    %div3A_75 = arith.divf %exp3A_70, %div3A_74 : vector<512x512xf32>
    %add3A_76 = arith.addf %add3A_57, %div3A_75 : vector<512x512xf32>
    %bitcast_convert_type3A = tpu.bitcast %add3A_76 : vector<512x512xf32> -> vector<512x512xi32>
    %broadcast_in_dim3A_77 = arith.constant 0 : i32
    %broadcast_in_dim3A_78 = vector.broadcast %broadcast_in_dim3A_77 : i32 to vector<512x1xi32>
    %broadcast_in_dim3A_79 = arith.constant 2139095040 : i32
    %broadcast_in_dim3A_80 = vector.broadcast %broadcast_in_dim3A_79 : i32 to vector<512x1xi32>
    %scan3A = arith.constant 0 : i32
    %scan3A_81 = arith.constant 32 : i32
    %scan3A_82 = arith.addi %scan3A, %scan3A_81 : i32
    %scan3A_83 = arith.constant 1 : i32
    %scan3A_84:2 = scf.for %scan3A_211 = %scan3A to %scan3A_82 step %scan3A_83 iter_args(%scan3A_212 = %broadcast_in_dim3A_78, %scan3A_213 = %broadcast_in_dim3A_80) -> (vector<512x1xi32>, vector<512x1xi32>)  : i32 {
      %sub3A_214 = arith.subi %scan3A_213, %scan3A_212 : vector<512x1xi32>
      %shift_right_arithmetic3A = arith.constant 1 : i32
      %shift_right_arithmetic3A_215 = vector.broadcast %shift_right_arithmetic3A : i32 to vector<512x1xi32>
      %shift_right_arithmetic3A_216 = arith.shrsi %sub3A_214, %shift_right_arithmetic3A_215 : vector<512x1xi32>
      %add3A_217 = arith.addi %scan3A_212, %shift_right_arithmetic3A_216 : vector<512x1xi32>
      %ge3A = vector.broadcast %add3A_217 : vector<512x1xi32> to vector<512x512xi32>
      %ge3A_218 = arith.cmpi sge, %bitcast_convert_type3A, %ge3A : vector<512x512xi32>
      %convert_element_type3A_219 = arith.extui %ge3A_218 : vector<512x512xi1> to vector<512x512xi32>
      %reduce_sum3A_220 = arith.constant dense<0> : vector<512xi32>
      %reduce_sum3A_221 = vector.multi_reduction <add>, %convert_element_type3A_219, %reduce_sum3A_220 [1] : vector<512x512xi32> to vector<512xi32>
      %broadcast_in_dim3A_222 = vector.shape_cast %reduce_sum3A_221 : vector<512xi32> to vector<512x1xi32>
      %ge3A_223 = arith.constant 32 : i32
      %ge3A_224 = vector.broadcast %ge3A_223 : i32 to vector<512x1xi32>
      %ge3A_225 = arith.cmpi sge, %broadcast_in_dim3A_222, %ge3A_224 : vector<512x1xi32>
      %select_n3A_226 = arith.select %ge3A_225, %add3A_217, %scan3A_212 : vector<512x1xi1>, vector<512x1xi32>
      %select_n3A_227 = arith.select %ge3A_225, %scan3A_213, %add3A_217 : vector<512x1xi1>, vector<512x1xi32>
      scf.yield %select_n3A_226, %select_n3A_227 : vector<512x1xi32>, vector<512x1xi32>
    }
    %iota3A = tpu.iota {dimensions = array<i32: 0>} : vector<512x512xi32>
    %iota3A_85 = tpu.iota {dimensions = array<i32: 1>} : vector<512x512xi32>
    %gt3A = vector.broadcast %scan3A_84#0 : vector<512x1xi32> to vector<512x512xi32>
    %gt3A_86 = arith.cmpi sgt, %bitcast_convert_type3A, %gt3A : vector<512x512xi32>
    %eq3A = vector.broadcast %scan3A_84#0 : vector<512x1xi32> to vector<512x512xi32>
    %eq3A_87 = arith.cmpi eq, %bitcast_convert_type3A, %eq3A : vector<512x512xi32>
    %convert_element_type3A = arith.extui %eq3A_87 : vector<512x512xi1> to vector<512x512xi32>
    %convert_element_type3A_88 = arith.sitofp %convert_element_type3A : vector<512x512xi32> to vector<512x512xf32>
    %convert_element_type3A_89 = arith.extui %gt3A_86 : vector<512x512xi1> to vector<512x512xi32>
    %reduce_sum3A_90 = arith.constant dense<0> : vector<512xi32>
    %reduce_sum3A_91 = vector.multi_reduction <add>, %convert_element_type3A_89, %reduce_sum3A_90 [1] : vector<512x512xi32> to vector<512xi32>
    %broadcast_in_dim3A_92 = vector.shape_cast %reduce_sum3A_91 : vector<512xi32> to vector<512x1xi32>
    %sub3A_93 = arith.constant 32 : i32
    %sub3A_94 = vector.broadcast %sub3A_93 : i32 to vector<512x1xi32>
    %sub3A_95 = arith.subi %sub3A_94, %broadcast_in_dim3A_92 : vector<512x1xi32>
    %convert_element_type3A_96 = arith.sitofp %sub3A_95 : vector<512x1xi32> to vector<512x1xf32>
    %lt3A = arith.cmpi slt, %iota3A, %iota3A_85 : vector<512x512xi32>
    %convert_element_type3A_97 = arith.extui %lt3A : vector<512x512xi1> to vector<512x512xi32>
    %convert_element_type3A_98 = arith.sitofp %convert_element_type3A_97 : vector<512x512xi32> to vector<512x512xf32>
    %dot_general3A_99 = arith.constant dense<0.000000e+00> : vector<512x512xf32>
    %dot_general3A_100 = tpu.matmul %convert_element_type3A_88, %convert_element_type3A_98, %dot_general3A_99 {dimension_numbers = #tpu.dot_dimension_numbers<[1], [0], [0], [1], [0, 0, 1, 1], [], []>, transpose_lhs_hint = false} : vector<512x512xf32>, vector<512x512xf32>, vector<512x512xf32> -> vector<512x512xf32>
    %lt3A_101 = vector.broadcast %convert_element_type3A_96 : vector<512x1xf32> to vector<512x512xf32>
    %lt3A_102 = arith.cmpf olt, %dot_general3A_100, %lt3A_101 : vector<512x512xf32>
    %and3A = arith.andi %eq3A_87, %lt3A_102 : vector<512x512xi1>
    %or3A = arith.ori %gt3A_86, %and3A : vector<512x512xi1>
    %eq3A_103 = arith.cmpi eq, %iota3A, %iota3A_85 : vector<512x512xi32>
    %or3A_104 = arith.ori %or3A, %eq3A_103 : vector<512x512xi1>
    %jit3A = arith.constant 1.000000e+00 : f32
    %jit3A_105 = arith.constant 0.000000e+00 : f32
    %broadcast_in_dim3A_106 = vector.broadcast %jit3A : f32 to vector<512x512xf32>
    %broadcast_in_dim3A_107 = vector.broadcast %jit3A_105 : f32 to vector<512x512xf32>
    %select_n3A = arith.select %or3A_104, %broadcast_in_dim3A_106, %broadcast_in_dim3A_107 : vector<512x512xi1>, vector<512x512xf32>
    %mul3A_108 = arith.mulf %select_n3A, %div3A_19 : vector<512x512xf32>
    %reduce_sum3A_109 = arith.constant dense<0.000000e+00> : vector<512xf32>
    %reduce_sum3A_110 = vector.multi_reduction <add>, %mul3A_108, %reduce_sum3A_109 [1] : vector<512x512xf32> to vector<512xf32>
    %broadcast_in_dim3A_111 = vector.shape_cast %reduce_sum3A_110 : vector<512xf32> to vector<512x1xf32>
    %add3A_112 = arith.constant 9.99999997E-7 : f32
    %add3A_113 = vector.broadcast %add3A_112 : f32 to vector<512x1xf32>
    %add3A_114 = arith.addf %broadcast_in_dim3A_111, %add3A_113 : vector<512x1xf32>
    %div3A_115 = vector.broadcast %add3A_114 : vector<512x1xf32> to vector<512x512xf32>
    %div3A_116 = arith.divf %mul3A_108, %div3A_115 : vector<512x512xf32>
    %reduce_sum3A_117 = arith.constant dense<0.000000e+00> : vector<512xf32>
    %reduce_sum3A_118 = vector.multi_reduction <add>, %div3A_116, %reduce_sum3A_117 [0] : vector<512x512xf32> to vector<512xf32>
    %broadcast_in_dim3A_119 = vector.shape_cast %reduce_sum3A_118 : vector<512xf32> to vector<1x512xf32>
    %add3A_120 = arith.constant 9.99999997E-7 : f32
    %add3A_121 = vector.broadcast %add3A_120 : f32 to vector<1x512xf32>
    %add3A_122 = arith.addf %broadcast_in_dim3A_119, %add3A_121 : vector<1x512xf32>
    %div3A_123 = vector.broadcast %add3A_122 : vector<1x512xf32> to vector<512x512xf32>
    %div3A_124 = arith.divf %div3A_116, %div3A_123 : vector<512x512xf32>
    %dot_general3A_125 = arith.constant dense<0.000000e+00> : vector<512x512xf32>
    %dot_general3A_126 = tpu.matmul %div3A_116, %div3A_124, %dot_general3A_125 {dimension_numbers = #tpu.dot_dimension_numbers<[1], [1], [0], [0], [0, 0, 1, 0], [], []>, transpose_lhs_hint = false} : vector<512x512xf32>, vector<512x512xf32>, vector<512x512xf32> -> vector<512x512xf32>
    %swap3A = arith.constant 0 : index
    %swap3A_127 = arith.constant 0 : index
    %swap3A_128 = arith.constant 0 : index
    %swap3A_129 = arith.constant 0 : index
    %swap3A_130 = vector.load %arg3[%swap3A, %swap3A_127, %swap3A_128, %swap3A_129] : memref<1x4x512x512xf32, #tpu.memory_space<vmem>>, vector<1x1x512x512xf32>
    %swap3A_131 = vector.shape_cast %swap3A_130 : vector<1x1x512x512xf32> to vector<512x512xf32>
    %swap3A_132 = vector.shape_cast %dot_general3A_126 : vector<512x512xf32> to vector<1x1x512x512xf32>
    tpu.vector_store %arg3[%swap3A, %swap3A_127, %swap3A_128, %swap3A_129], %swap3A_132 {strides = array<i32>} : memref<1x4x512x512xf32, #tpu.memory_space<vmem>>, vector<1x1x512x512xf32>,
    %mul3A_133 = arith.mulf %select_n3A, %div3A_37 : vector<512x512xf32>
    %reduce_sum3A_134 = arith.constant dense<0.000000e+00> : vector<512xf32>
    %reduce_sum3A_135 = vector.multi_reduction <add>, %mul3A_133, %reduce_sum3A_134 [1] : vector<512x512xf32> to vector<512xf32>
    %broadcast_in_dim3A_136 = vector.shape_cast %reduce_sum3A_135 : vector<512xf32> to vector<512x1xf32>
    %add3A_137 = arith.constant 9.99999997E-7 : f32
    %add3A_138 = vector.broadcast %add3A_137 : f32 to vector<512x1xf32>
    %add3A_139 = arith.addf %broadcast_in_dim3A_136, %add3A_138 : vector<512x1xf32>
    %div3A_140 = vector.broadcast %add3A_139 : vector<512x1xf32> to vector<512x512xf32>
    %div3A_141 = arith.divf %mul3A_133, %div3A_140 : vector<512x512xf32>
    %reduce_sum3A_142 = arith.constant dense<0.000000e+00> : vector<512xf32>
    %reduce_sum3A_143 = vector.multi_reduction <add>, %div3A_141, %reduce_sum3A_142 [0] : vector<512x512xf32> to vector<512xf32>
    %broadcast_in_dim3A_144 = vector.shape_cast %reduce_sum3A_143 : vector<512xf32> to vector<1x512xf32>
    %add3A_145 = arith.constant 9.99999997E-7 : f32
    %add3A_146 = vector.broadcast %add3A_145 : f32 to vector<1x512xf32>
    %add3A_147 = arith.addf %broadcast_in_dim3A_144, %add3A_146 : vector<1x512xf32>
    %div3A_148 = vector.broadcast %add3A_147 : vector<1x512xf32> to vector<512x512xf32>
    %div3A_149 = arith.divf %div3A_141, %div3A_148 : vector<512x512xf32>
    %dot_general3A_150 = arith.constant dense<0.000000e+00> : vector<512x512xf32>
    %dot_general3A_151 = tpu.matmul %div3A_141, %div3A_149, %dot_general3A_150 {dimension_numbers = #tpu.dot_dimension_numbers<[1], [1], [0], [0], [0, 0, 1, 0], [], []>, transpose_lhs_hint = false} : vector<512x512xf32>, vector<512x512xf32>, vector<512x512xf32> -> vector<512x512xf32>
    %swap3A_152 = arith.constant 0 : index
    %swap3A_153 = arith.constant 1 : index
    %swap3A_154 = arith.constant 0 : index
    %swap3A_155 = arith.constant 0 : index
    %swap3A_156 = vector.load %arg3[%swap3A_152, %swap3A_153, %swap3A_154, %swap3A_155] : memref<1x4x512x512xf32, #tpu.memory_space<vmem>>, vector<1x1x512x512xf32>
    %swap3A_157 = vector.shape_cast %swap3A_156 : vector<1x1x512x512xf32> to vector<512x512xf32>
    %swap3A_158 = vector.shape_cast %dot_general3A_151 : vector<512x512xf32> to vector<1x1x512x512xf32>
    tpu.vector_store %arg3[%swap3A_152, %swap3A_153, %swap3A_154, %swap3A_155], %swap3A_158 {strides = array<i32>} : memref<1x4x512x512xf32, #tpu.memory_space<vmem>>, vector<1x1x512x512xf32>,
    %mul3A_159 = arith.mulf %select_n3A, %div3A_56 : vector<512x512xf32>
    %reduce_sum3A_160 = arith.constant dense<0.000000e+00> : vector<512xf32>
    %reduce_sum3A_161 = vector.multi_reduction <add>, %mul3A_159, %reduce_sum3A_160 [1] : vector<512x512xf32> to vector<512xf32>
    %broadcast_in_dim3A_162 = vector.shape_cast %reduce_sum3A_161 : vector<512xf32> to vector<512x1xf32>
    %add3A_163 = arith.constant 9.99999997E-7 : f32
    %add3A_164 = vector.broadcast %add3A_163 : f32 to vector<512x1xf32>
    %add3A_165 = arith.addf %broadcast_in_dim3A_162, %add3A_164 : vector<512x1xf32>
    %div3A_166 = vector.broadcast %add3A_165 : vector<512x1xf32> to vector<512x512xf32>
    %div3A_167 = arith.divf %mul3A_159, %div3A_166 : vector<512x512xf32>
    %reduce_sum3A_168 = arith.constant dense<0.000000e+00> : vector<512xf32>
    %reduce_sum3A_169 = vector.multi_reduction <add>, %div3A_167, %reduce_sum3A_168 [0] : vector<512x512xf32> to vector<512xf32>
    %broadcast_in_dim3A_170 = vector.shape_cast %reduce_sum3A_169 : vector<512xf32> to vector<1x512xf32>
    %add3A_171 = arith.constant 9.99999997E-7 : f32
    %add3A_172 = vector.broadcast %add3A_171 : f32 to vector<1x512xf32>
    %add3A_173 = arith.addf %broadcast_in_dim3A_170, %add3A_172 : vector<1x512xf32>
    %div3A_174 = vector.broadcast %add3A_173 : vector<1x512xf32> to vector<512x512xf32>
    %div3A_175 = arith.divf %div3A_167, %div3A_174 : vector<512x512xf32>
    %dot_general3A_176 = arith.constant dense<0.000000e+00> : vector<512x512xf32>
    %dot_general3A_177 = tpu.matmul %div3A_167, %div3A_175, %dot_general3A_176 {dimension_numbers = #tpu.dot_dimension_numbers<[1], [1], [0], [0], [0, 0, 1, 0], [], []>, transpose_lhs_hint = false} : vector<512x512xf32>, vector<512x512xf32>, vector<512x512xf32> -> vector<512x512xf32>
    %swap3A_178 = arith.constant 0 : index
    %swap3A_179 = arith.constant 2 : index
    %swap3A_180 = arith.constant 0 : index
    %swap3A_181 = arith.constant 0 : index
    %swap3A_182 = vector.load %arg3[%swap3A_178, %swap3A_179, %swap3A_180, %swap3A_181] : memref<1x4x512x512xf32, #tpu.memory_space<vmem>>, vector<1x1x512x512xf32>
    %swap3A_183 = vector.shape_cast %swap3A_182 : vector<1x1x512x512xf32> to vector<512x512xf32>
    %swap3A_184 = vector.shape_cast %dot_general3A_177 : vector<512x512xf32> to vector<1x1x512x512xf32>
    tpu.vector_store %arg3[%swap3A_178, %swap3A_179, %swap3A_180, %swap3A_181], %swap3A_184 {strides = array<i32>} : memref<1x4x512x512xf32, #tpu.memory_space<vmem>>, vector<1x1x512x512xf32>,
    %mul3A_185 = arith.mulf %select_n3A, %div3A_75 : vector<512x512xf32>
    %reduce_sum3A_186 = arith.constant dense<0.000000e+00> : vector<512xf32>
    %reduce_sum3A_187 = vector.multi_reduction <add>, %mul3A_185, %reduce_sum3A_186 [1] : vector<512x512xf32> to vector<512xf32>
    %broadcast_in_dim3A_188 = vector.shape_cast %reduce_sum3A_187 : vector<512xf32> to vector<512x1xf32>
    %add3A_189 = arith.constant 9.99999997E-7 : f32
    %add3A_190 = vector.broadcast %add3A_189 : f32 to vector<512x1xf32>
    %add3A_191 = arith.addf %broadcast_in_dim3A_188, %add3A_190 : vector<512x1xf32>
    %div3A_192 = vector.broadcast %add3A_191 : vector<512x1xf32> to vector<512x512xf32>
    %div3A_193 = arith.divf %mul3A_185, %div3A_192 : vector<512x512xf32>
    %reduce_sum3A_194 = arith.constant dense<0.000000e+00> : vector<512xf32>
    %reduce_sum3A_195 = vector.multi_reduction <add>, %div3A_193, %reduce_sum3A_194 [0] : vector<512x512xf32> to vector<512xf32>
    %broadcast_in_dim3A_196 = vector.shape_cast %reduce_sum3A_195 : vector<512xf32> to vector<1x512xf32>
    %add3A_197 = arith.constant 9.99999997E-7 : f32
    %add3A_198 = vector.broadcast %add3A_197 : f32 to vector<1x512xf32>
    %add3A_199 = arith.addf %broadcast_in_dim3A_196, %add3A_198 : vector<1x512xf32>
    %div3A_200 = vector.broadcast %add3A_199 : vector<1x512xf32> to vector<512x512xf32>
    %div3A_201 = arith.divf %div3A_193, %div3A_200 : vector<512x512xf32>
    %dot_general3A_202 = arith.constant dense<0.000000e+00> : vector<512x512xf32>
    %dot_general3A_203 = tpu.matmul %div3A_193, %div3A_201, %dot_general3A_202 {dimension_numbers = #tpu.dot_dimension_numbers<[1], [1], [0], [0], [0, 0, 1, 0], [], []>, transpose_lhs_hint = false} : vector<512x512xf32>, vector<512x512xf32>, vector<512x512xf32> -> vector<512x512xf32>
    %swap3A_204 = arith.constant 0 : index
    %swap3A_205 = arith.constant 3 : index
    %swap3A_206 = arith.constant 0 : index
    %swap3A_207 = arith.constant 0 : index
    %swap3A_208 = vector.load %arg3[%swap3A_204, %swap3A_205, %swap3A_206, %swap3A_207] : memref<1x4x512x512xf32, #tpu.memory_space<vmem>>, vector<1x1x512x512xf32>
    %swap3A_209 = vector.shape_cast %swap3A_208 : vector<1x1x512x512xf32> to vector<512x512xf32>
    %swap3A_210 = vector.shape_cast %dot_general3A_203 : vector<512x512xf32> to vector<1x1x512x512xf32>
    tpu.vector_store %arg3[%swap3A_204, %swap3A_205, %swap3A_206, %swap3A_207], %swap3A_210 {strides = array<i32>} : memref<1x4x512x512xf32, #tpu.memory_space<vmem>>, vector<1x1x512x512xf32>,
    return
  }
  func.func @transform_0(%arg0: i32) -> (i32, i32, i32) {
    %c0_i32 = arith.constant 0 : i32
    %c0_i32_0 = arith.constant 0 : i32
    %c0_i32_1 = arith.constant 0 : i32
    return %arg0, %c0_i32, %c0_i32_0 : i32, i32, i32
  }
  func.func @transform_1(%arg0: i32) -> (i32, i32) {
    %c0_i32 = arith.constant 0 : i32
    %c0_i32_0 = arith.constant 0 : i32
    %c0_i32_1 = arith.constant 0 : i32
    return %c0_i32, %c0_i32_0 : i32, i32
  }
  func.func @transform_2(%arg0: i32) -> (i32, i32, i32, i32) {
    %c0_i32 = arith.constant 0 : i32
    %c0_i32_0 = arith.constant 0 : i32
    %c0_i32_1 = arith.constant 0 : i32
    %c0_i32_2 = arith.constant 0 : i32
    return %arg0, %c0_i32, %c0_i32_0, %c0_i32_1 : i32, i32, i32, i32
  }
}

</mosaic_0001>

<sc_bundles>
// kernel: gather_offload_async_start.1
scs
__scs_entry_jumppad:
0x0: {  	(pc) =	sbr.rel $0x88, $3  }
0x1: {  	(tag) =	ssettag $0x0;
	lr =	simm.s32 $0x1  }
0x2: {  	[smem:$0x3F9B] =	sst lr;
	_ =	strace $0xD0000000  }
0x3: {  	_ = 	snop  }
0x4: {  	_ = 	snop  }
0x5: {  	_ = 	snop  }
0x6: {  	_ = 	snop  }
0x7: {  	_ = 	snop  }
__scs_overlays_trampoline_lowered:
0x8: {  	[smem:$0x3FAA] =	sst s0  }
0x9: {  	[smem:$0x3FAB] =	sst s1  }
0xa: {  	[smem:$0x3FAC] =	sst s2  }
0xb: {  	[smem:$0x3FAD] =	sst s3  }
0xc: {  	[smem:$0x3FAE] =	sst s4  }
0xd: {  	[smem:$0x3FAF] =	sst s5  }
0xe: {  	[smem:$0x3FB0] =	sst s6  }
0xf: {  	[smem:$0x3FB1] =	sst s7  }
0x10: {  	[smem:$0x3FB2] =	sst s8  }
0x11: {  	[smem:$0x3FB3] =	sst s9;
	s0 =	simm.s32 @!p0 $0x0  }
0x12: {  	s1 =	sld [smem:$0x3F99];
	s0 =	simm.s32 @p0 $0x1  }
0x13: {  	[smem:$0x3FB4] =	sst s0;
	s0 =	simm.s32 @!p1 $0x0  }
0x14: {  	s2 =	sld [smem:$0x3F98];
	s0 =	simm.s32 @p1 $0x1  }
0x15: {  	[smem:$0x3FB5] =	sst s0;
	s0 =	simm.s32 @!p2 $0x0  }
0x16: {  	s3 =	sld [smem:$0x3FDB];
	s0 =	simm.s32 @p2 $0x1  }
0x17: {  	s4 =	simm.s32 $0x1BF5;
	[smem:$0x3FB7] =	sst s0  }
0x18: {  	s0 =	sld [smem:$0x3F9A];
	_ =	swait.ge [sflag:s4], $0x0  }
0x19: {  	s7 =	sld [smem:$0x3F9B]  }
0x1a: {  	s8 =	sadd.s32 $0xFFFFE003, lr  }
0x1b: {  	s9 =	sadd.s32 $0xFFFFFEF7, lr;
	s5 =	simm.s32 $0xFFFFFFFF;
	p2 =	slt.u32 s8, $0xFFFFF086  }
0x1c: {  	p1 =	slt.u32 s9, $0xF7A;
	s5 =	simm.s32 @!p2 $0x0  }
0x1d: {  	s5 =	simm.s32 @p1 $0x1;
	p0 =	seq.s32 s7, s2  }
0x1e: {  	s7 =	smul.u32 @!p0 $0xF7A, s2;
	p2 =	seq.s32 @!p0 s5, $0x0  }
0x1f: {  	s9 =	smul.u32 $0xF7A, s1;
	s8 =	simm.s32 @!p0 $0x1BF5;
	p2 =	por !p2, p0  }
0x20: {  	[sflag:s8] =	ssyncset.s32 @!p0 $0xFFFFF086;
	s6 =	sadd.s32 @!p0 s3, s7;
	s7 =	simm.s32 @!p0 $0x108  }
0x21: {  	s3 =	sadd.s32 s3, s9;
	s6 =	sadd.s32 @!p0 $0x88, s6;
	s7 =	simm.s32 @p2 $0x1082  }
0x22: {  	[simem:s7], [sflag:s8] =	dma.local @!p0 [hbm:s6], $0xF7A  }
0x23: {  	s9 =	sor.u32 $0xD0000000, s2;
	s6 =	simm.s32 $0x108;
	_ =	swait.ge @!p0 [sflag:s8], $0x0  }
0x24: {  	s3 =	sadd.s32 $0x88, s3;
	s6 =	simm.s32 @!p1 $0x1082;
	[sflag:s4] =	ssyncset.s32 $0xFFFFF086  }
0x25: {  	[simem:s6], [sflag:s4] =	dma.local [hbm:s3], $0xF7A  }
0x26: {  	[smem:$0x3F9B] =	sst s1;
	(tag) =	ssettag s2;
	_ =	strace s9  }
0x27: {  	s1 =	sld [smem:$0x3FAB]  }
0x28: {  	s2 =	sld [smem:$0x3FAC]  }
0x29: {  	s4 =	sld [smem:$0x3FAE]  }
0x2a: {  	p0 =	seq.s32 s5, $0x0;
	s5 =	sld [smem:$0x3FAF]  }
0x2b: {  	s6 =	sld [smem:$0x3FB0]  }
0x2c: {  	s7 =	sld [smem:$0x3FB1]  }
0x2d: {  	s3 =	simm.s32 $0x108;
	s8 =	sld [smem:$0x3FB2]  }
0x2e: {  	s3 =	simm.s32 @!p0 $0x1082;
	s9 =	sld [smem:$0x3FB3]  }
0x2f: {  	lr =	sadd.s32 s0, s3;
	s0 =	sld [smem:$0x3FAA]  }
0x30: {  	s3 =	sld [smem:$0x3FAD]  }
0x31: {  	[smem:$0x3FB6] =	sst s10  }
0x32: {  	s10 =	sld [smem:$0x3FB4];
	_ =	sdelay $0x3  }
0x33: {  	p0 =	seq.s32 s10, $0x1;
	s10 =	sld [smem:$0x3FB6];
	_ =	sdelay $0x3  }
0x34: {  	[smem:$0x3FB6] =	sst s10  }
0x35: {  	s10 =	sld [smem:$0x3FB5];
	_ =	sdelay $0x3  }
0x36: {  	p1 =	seq.s32 s10, $0x1;
	s10 =	sld [smem:$0x3FB6];
	_ =	sdelay $0x3  }
0x37: {  	[smem:$0x3FB6] =	sst s10  }
0x38: {  	s10 =	sld [smem:$0x3FB7]  }
0x39: {  	_ = 	snop;
	(pc) =	sbr.ind lr, $3  }
0x3a: {  	_ = 	snop  }
0x3b: {  	_ = 	snop  }
0x3c: {  	p2 =	seq.s32 s10, $0x1;
	s10 =	sld [smem:$0x3FB6]  }
0x3d: {  	_ =	shalt  }
0x3e: {  	_ =	shalt  }
0x3f: {  	_ =	shalt  }
0x40: {  	_ =	shalt  }
0x41: {  	_ =	shalt  }
0x42: {  	_ =	shalt  }
0x43: {  	_ =	shalt  }
0x44: {  	_ =	shalt  }
0x45: {  	_ =	shalt  }
0x46: {  	_ =	shalt  }
0x47: {  	_ =	shalt  }
0x48: {  	_ =	shalt  }
0x49: {  	_ =	shalt  }
0x4a: {  	_ =	shalt  }
0x4b: {  	_ =	shalt  }
0x4c: {  	_ =	shalt  }
0x4d: {  	_ =	shalt  }
0x4e: {  	_ =	shalt  }
0x4f: {  	_ =	shalt  }
0x50: {  	_ =	shalt  }
0x51: {  	_ =	shalt  }
0x52: {  	_ =	shalt  }
0x53: {  	_ =	shalt  }
0x54: {  	_ =	shalt  }
0x55: {  	_ =	shalt  }
0x56: {  	_ =	shalt  }
0x57: {  	_ =	shalt  }
0x58: {  	_ =	shalt  }
0x59: {  	_ =	shalt  }
0x5a: {  	_ =	shalt  }
0x5b: {  	_ =	shalt  }
0x5c: {  	_ =	shalt  }
0x5d: {  	_ =	shalt  }
0x5e: {  	_ =	shalt  }
0x5f: {  	_ =	shalt  }
0x60: {  	_ =	shalt  }
0x61: {  	_ =	shalt  }
0x62: {  	_ =	shalt  }
0x63: {  	_ =	shalt  }
0x64: {  	_ =	shalt  }
0x65: {  	_ =	shalt  }
0x66: {  	_ =	shalt  }
0x67: {  	_ =	shalt  }
0x68: {  	_ =	shalt  }
0x69: {  	_ =	shalt  }
0x6a: {  	_ =	shalt  }
0x6b: {  	_ =	shalt  }
0x6c: {  	_ =	shalt  }
0x6d: {  	_ =	shalt  }
0x6e: {  	_ =	shalt  }
0x6f: {  	_ =	shalt  }
0x70: {  	_ =	shalt  }
0x71: {  	_ =	shalt  }
0x72: {  	_ =	shalt  }
0x73: {  	_ =	shalt  }
0x74: {  	_ =	shalt  }
0x75: {  	_ =	shalt  }
0x76: {  	_ =	shalt  }
0x77: {  	_ =	shalt  }
0x78: {  	_ =	shalt  }
0x79: {  	_ =	shalt  }
0x7a: {  	_ =	shalt  }
0x7b: {  	_ =	shalt  }
0x7c: {  	_ =	shalt  }
0x7d: {  	_ =	shalt  }
0x7e: {  	_ =	shalt  }
0x7f: {  	_ =	shalt  }
0x80: {  	_ =	shalt  }
0x81: {  	_ =	shalt  }
0x82: {  	_ =	shalt  }
0x83: {  	_ =	shalt  }
0x84: {  	_ =	shalt  }
0x85: {  	_ =	shalt  }
0x86: {  	_ =	shalt  }
0x87: {  	_ =	shalt  }
.Lfunc_end0:
.L_simem_size_0:
called_computation.1_lowered:
.L_overlay_start_0:
0x88: {  	s2 =	sld [smem:$0x3FD9]  }
0x89: {  	s3 =	sld [smem:$0x3FFE];
	_ =	sdelay $0x1  }
0x8a: {  	s1 =	srdreg.scid  }
0x8b: {  	s0 =	sand.u32 $0x1, s1  }
0x8c: {  	s16 =	sshll.u32 s0, $0xA;
	s2 =	sadd.s32 s3, s2  }
0x8d: {  	s2 =	sadd.s32 s2, s16  }
0x8e: {  	[smem:$0x3FC2] =	sst s2  }
0x8f: {  	_ = 	snop  }
0x90: {  	(tm) =	ssettm $0x1  }
0x91: {  	s17 =	sld [smem:$0x3FFB];
	_ =	sdelay $0x3  }
0x92: {  	_ =	strace s17  }
0x93: {  	s2 =	sld [smem:$0x3FFC];
	_ =	sdelay $0x3  }
0x94: {  	_ =	strace s2  }
0x95: {  	s2 =	sld [smem:$0x3FFD];
	_ =	sdelay $0x3  }
0x96: {  	_ =	strace s2  }
0x97: {  	_ =	strace $0x8FFFFFFF  }
0x98: {  	s18 =	sld [smem:$0x3FDB];
	_ =	sdelay $0x1  }
0x99: {  	s19 =	simm.s32 $_scs_section_size  }
0x9a: {  	s4 =	simm.s32 $_size__tile_overlayer_lowered;
	s5 =	simm.s32 $_tile_overlayer_lowered  }
0x9b: {  	s22 =	simm.s32 $0x1BFF;
	s21 =	sshll.u32 s5, $0x1;
	s2 =	sadd.s32 s19, s18  }
0x9c: {  	s6 =	simm.s32 $0x0;
	s20 =	sshll.u32 s4, $0x1;
	s4 =	sadd.s32 s21, s2  }
0x9d: {  	[timem:s6], [sflag:s22] =	dma.local [hbm:s4], s20  }
0x9e: {  	_ =	swait.ge [sflag:s22], s20  }
0x9f: {  	s3 =	ssub.s32 $0x0, s20;
	[sflag:s22] =	ssyncset.done $0x0  }
0xa0: {  	[sflag:s22] =	ssyncadd.s32 s3;
	_ =	sdelay $0x1  }
0xa1: {  	s23 =	simm.s32 $0x1B8B  }
0xa2: {  	_ =	swait.ge [sflag:s23], $0x1  }
0xa3: {  	[sflag:s23] =	ssyncset.done $0x0  }
0xa4: {  	s25 =	simm.s32 $0x1B8E;
	s24 =	sld [smem:$0x3FFE];
	[sflag:s23] =	ssyncadd.s32 $0xFFFFFFFF  }
0xa5: {  	s26 =	simm.s32 $execute0_lowered;
	[smem:$0x3FD2] =	sst s25  }
0xa6: {  	s4 =	sshll.u32 s26, $0x1;
	_ =	strace $0x80000046;
	[dreg:$0x1] =	wrdreg $0xFFFFFFFF  }
0xa7: {  	s28 =	simm.s32 $_size_execute0_lowered;
	s2 =	sadd.s32 s2, s4;
	[dreg:$0x0] =	wrdreg $0x0  }
0xa8: {  	s4 =	sshll.u32 s28, $0x1;
	[dreg:$0x2] =	wrdreg s2  }
0xa9: {  	[dreg:$0x3] =	wrdreg s4  }
0xaa: {  	[dreg:$0x4] =	wrdreg $0xC0  }
0xab: {  	_ =	task [dreg:s6], $0x5FFFF  }
0xac: {  	[dreg:$0x1] =	wrdreg $0xFFFFFFFF  }
0xad: {  	[dreg:$0x0] =	wrdreg $0x60  }
0xae: {  	[dreg:$0x2] =	wrdreg s24  }
0xaf: {  	[dreg:$0x3] =	wrdreg $0x9  }
0xb0: {  	_ =	task.clear_ibuf [dreg:s6], $0x4FFFF;
	_ =	strace $0x90000046  }
0xb1: {  	s29 =	simm.s32 $0x9;
	_ =	strace $0x80000048  }
0xb2: {  	_ =	swait.ge [sflag:s29], $0x1  }
0xb3: {  	[sflag:s29] =	ssyncadd.s32 $0xFFFFFFFF  }
0xb4: {  	_ =	strace $0x90000048  }
0xb5: {  	_ =	sfence  }
0xb6: {  	s30 =	sld [smem:$0x0];
	_ =	sdelay $0x2  }
0xb7: {  	s31 =	sshll.u32 s1, $0xD;
	s1 =	sshrl.u32 s1, $0x2  }
0xb8: {  	s3 =	sand.u32 $0x4000, s31;
	s1 =	sadd.s32 s1, s30  }
0xb9: {  	s0 =	sor.u32 s3, s0;
	s1 =	sshll.u32 s1, $0x11  }
0xba: {  	s0 =	sor.u32 s1, s0  }
0xbb: {  	s0 =	sadd.s32 $0x8F2B, s0  }
0xbc: {  	[sflag:s0] =	ssyncadd.remote.s32 $0x1  }
0xbd: {  	_ =	sfence.sel $0xFFFF  }
0xbe: {  	[dreg:$0x0] =	wrdreg $0xFFFFFFFF;
	(pc) =	sbr.abs _section_cstart, $3  }
0xbf: {  	[dreg:$0x1] =	wrdreg $0xFFFFFFFF  }
0xc0: {  	_ =	task.clear_ibuf [dreg:s6], $0x2FFFF;
	_ =	strace $0x9FFFFFFF  }
0xc1: {  	(tm) =	ssettm $0x7FFFFFFF  }
tec
execute0_lowered:
.L_overlay_start_1:
0x0: {  	(tag) =	ssettag $0x1  }
0x1: {  	s1 =	srdreg.scid  }
0x2: {  	s0 =	stileid.u32;
	s2 =	rddreg [dreg:$0x0];
	s6 =	simm.s32 $0x1  }
0x3: {  	s9 =	simm.s32 $0x1;
	s10 =	simm.s32 $0x3;
	s1 =	sshll.u32 s1, $0x9  }
0x4: {  	s13 =	simm.s32 $0x0;
	s3 =	sshll.u32 s0, $0xA;
	s4 =	sand.u32 $0x200, s1  }
0x5: {  	s12 =	simm.s32 $0x0;
	s5 =	sadd.s32 $0x8000, s2;
	s3 =	sor.u32 s3, s4  }
0x6: {  	s1 =	rddreg [dreg:$0x1];
	_ =	strace $0x80000047;
	s8 =	ssub.s32 $0x8000, s3  }
.Ltmp0:
0x7: {  	s4 =	sadd.s32 $0x1000, s2;
	s7 =	sand.u32 $0x3E00, s8;
	(pc) =	sbr.rel .LBB2_1-.Ltmp0, $4  }
0x8: {  	[sflag:s6] =	ssyncpa.u1 $0x0;
	s11 =	smov.u32 s3;
	p0 =	sne.s32 s7, $0x0  }
0x9: {  	s8 =	sshrl.u32 s8, $0xE;
	s7 =	simm.s32 $0x2;
	s9 =	simm.s32 @!p0 $0x0  }
0xa: {  	[sflag:s7] =	ssyncpa.u1 $0x0;
	p0 =	por $0x0, $0x0;
	s8 =	sadd.s32 s9, s8  }
0xb: {  	vm0 =	vmmov $0xffff;
	[sflag:s10] =	ssyncpa.u1 $0x0;
	s10 =	simm.s32 $0x0;
	s9 =	sadd.s32 $0x1, s8  }
.LBB2_4:
0xc: {  	v5 =	vshrl.u32 v1, $0x8;
	v6 =	vshll.u32 v1, $0x7  }
0xd: {  	vm1 =	veq.s32 v1, $0x80000000;
	v58 =	vand.u32 $0x7F, v5;
	v59 =	vand.u32 $0x7F80, v6  }
0xe: {  	v1 =	vsel vm1, $0xFFFFFFFF, v58;
	v5 =	vsel vm1, $0xFFFFFF80, v59  }
0xf: {  	v3 =	vor.u32 v4, v3;
	v60 =	vand.u32 $0xFFFFFC00, v5;
	v61 =	vand.u32 $0xFFFFFC00, v1  }
0x10: {  	v2 =	vor.u32 v2, v3;
	v63 =	vand.u32 $0x380, v5;
	v62 =	vadd.s32 v61, v60  }
0x11: {  	v1 =	vand.u32 $0x7F, v1;
	v3 =	vor.u32 v63, v62  }
0x12: {  	v1 =	vor.u32 v1, v3  }
0x13: {  	[tilespmem:s15], [sflag:$0x1] =	stream.indirect_vreg.gather [hbm4b:s2+s10], $0x1, v0, vm0, $0x4038;
	[tilespmem:$0x800] =	vst v63  }
0x14: {  	(ifvalue) =	ssetifvalue $0x7FFFFFFF  }
0x15: {  	[tilespmem:s16], [sflag:$0x1] =	stream.indirect_vreg.gather [hbm4b:s2+s10], $0x1, v2, vm0, $0x4038;
	[tilespmem:$0x800] =	vst v63  }
0x16: {  	s29 =	sadd.s32 $0x10, s16;
	(ifvalue) =	ssetifvalue $0x7FFFFFFF  }
0x17: {  	[tilespmem:s29], [sflag:$0x1] =	stream.indirect_vreg.gather [hbm4b:s2+s10], $0x1, v1, vm0, $0x4038;
	[tilespmem:$0x800] =	vst v63  }
0x18: {  	_ =	swait.ge [sflag:s6], $0x200  }
0x19: {  	s30 =	sshrl.u32 s13, $0x3;
	[sflag:s6] =	ssyncset.done $0x0  }
0x1a: {  	s31 =	sand.u32 $0x7, s13;
	s15 =	sadd.s32 s5, s30;
	[sflag:s6] =	ssyncadd.s32 $0xFFFFFE00  }
0x1b: {  	[hbm4b:s15+s31] =	stream.linear.scatter [tilespmem:s14], [sflag:$0x3], $0x200, $0x38;
	[tilespmem:$0x800] =	vst v63  }
.LBB2_5:
0x1c: {  	s15 =	sadd.s32 $0x4000, s11  }
0x1d: {  	p2 =	sgt.s32 s15, $0x7FFF  }
0x1e: {  	s15 =	smov.u32 @p2 s3;
	p2 =	sne.s32 s12, s9  }
.Ltmp1:
0x1f: {  	p1 =	slt.u32 s12, $0x2;
	(pc) =	sbr.rel @!p2 .LBB2_6-.Ltmp1, $4  }
0x20: {  	s14 =	simm.s32 @!p1 $0x3  }
0x21: {  	s16 =	sadd.s32 $0x1, s12;
	_ =	swait.ge @!p1 [sflag:s14], $0x200  }
0x22: {  	s13 =	smov.u32 s11;
	p0 =	por !p0, !p0;
	[sflag:s14] =	ssyncset.done @!p1 $0x0  }
0x23: {  	s12 =	smov.u32 s16;
	s11 =	smov.u32 s15;
	[sflag:s14] =	ssyncadd.s32 @!p1 $0xFFFFFE00  }
.LBB2_1:
0x24: {  	p1 =	sge.u32 s12, s8  }
0x25: {  	s14 =	sxor.u32 @!p1 $0xFFFFFFFF, s12  }
0x26: {  	s31 =	sadd.s32 $0xFFFFFFFF, s12;
	s15 =	sshrl.u32 @!p1 s11, $0x3;
	s14 =	sshll.u32 @!p1 s14, $0x9  }
0x27: {  	s16 =	sand.u32 @!p1 $0x7, s11;
	s15 =	sadd.s32 @!p1 s4, s15;
	s14 =	sand.u32 @!p1 $0x200, s14  }
0x28: {  	[tilespmem:s14], [sflag:$0x2] =	stream.linear.gather @!p1 [hbm4b:s15+s16], $0x200, $0x38;
	[tilespmem:$0x800] =	vst v63  }
0x29: {  	p1 =	sge.u32 s31, s8  }
.Ltmp2:
0x2a: {  	_ = 	snop;
	(pc) =	sbr.rel @p1 .LBB2_5-.Ltmp2, $1  }
0x2b: {  	_ =	sdelay $0x3  }
0x2c: {  	s14 =	simm.s32 $0x1  }
0x2d: {  	_ =	swait.ge [sflag:s7], $0x200;
	s14 =	simm.s32 @!p0 $0x0  }
0x2e: {  	[sflag:s7] =	ssyncset.done $0x0;
	s14 =	sshll.u32 s14, $0x9  }
0x2f: {  	[sflag:s7] =	ssyncadd.s32 $0xFFFFFE00;
	(ifvalue) =	ssetifvalue $0x7FFFFFFF;
	v0 =	vld.msk [tilespmem:s14+$0x0 ss:$0x1], $0xffff;
	_ =	sdelay $0x4  }
0x30: {  	s15 =	sadd.s32 $0x10, s14;
	v2 =	vshrl.u32 v0, $0x8;
	v3 =	vshll.u32 v0, $0x7  }
0x31: {  	v1 =	vld.msk [tilespmem:s15+$0x0 ss:$0x1], $0xffff;
	vm1 =	veq.s32 v0, $0x80000000;
	v0 =	vand.u32 $0x7F, v2;
	v2 =	vand.u32 $0x7F80, v3  }
0x32: {  	v0 =	vsel vm1, $0xFFFFFFFF, v0;
	v2 =	vsel vm1, $0xFFFFFF80, v2  }
0x33: {  	v3 =	vand.u32 $0xFFFFFC00, v2;
	v4 =	vand.u32 $0xFFFFFC00, v0  }
0x34: {  	v2 =	vand.u32 $0x380, v2;
	v3 =	vadd.s32 v4, v3  }
0x35: {  	v0 =	vand.u32 $0x7F, v0;
	v2 =	vor.u32 v2, v3  }
0x36: {  	v5 =	vshll.u32 v1, $0x7;
	v4 =	vshrl.u32 v1, $0x8;
	v0 =	vor.u32 v0, v2  }
0x37: {  	s16 =	sshll.u32 s12, $0x9;
	vm1 =	veq.s32 v1, $0x80000000;
	v1 =	vand.u32 $0x7F, v4;
	v4 =	vand.u32 $0x7F80, v5  }
0x38: {  	s16 =	sand.u32 $0x200, s16;
	s18 =	sadd.s32 $0x10, s15;
	v3 =	vsel vm1, $0xFFFFFFFF, v1;
	v4 =	vsel vm1, $0xFFFFFF80, v4  }
0x39: {  	s17 =	simm.s32 $0x20;
	s15 =	sor.u32 $0x400, s14;
	s14 =	sor.u32 $0x400, s16;
	v1 =	vld.msk [tilespmem:s18+$0x0 ss:$0x1], $0xffff;
	v5 =	vand.u32 $0xFFFFFC00, v4;
	v6 =	vand.u32 $0xFFFFFC00, v3  }
0x3a: {  	s16 =	sadd.s32 $0x10, s15;
	s18 =	sadd.s32 $0x10, s18;
	(ifvalue) =	ssetifvalue $0x7FFFFFFF;
	v2 =	vand.u32 $0x7F, v3;
	v4 =	vand.u32 $0x380, v4;
	v3 =	vadd.s32 v6, v5  }
.LBB2_3:
0x3b: {  	[tilespmem:s15], [sflag:$0x1] =	stream.indirect_vreg.gather [hbm4b:s2+s10], $0x1, v0, vm0, $0x4038;
	[tilespmem:$0x800] =	vst v63  }
0x3c: {  	s17 =	sadd.s32 $0x10, s17  }
0x3d: {  	v3 =	vor.u32 v4, v3;
	p1 =	slt.u32 s17, $0x1F0  }
.Ltmp3:
0x3e: {  	v4 =	vshrl.u32 v1, $0x8;
	v5 =	vshll.u32 v1, $0x7;
	s15 =	smov.u32 s16;
	v0 =	vor.u32 v2, v3;
	v2 =	vmovc v1;
	v1 =	vld.msk [tilespmem:s18+$0x0 ss:$0x1], $0xffff;
	(pc) =	sbr.rel @p1 .LBB2_3-.Ltmp3, $4  }
0x3f: {  	v3 =	vand.u32 $0x7F80, v5;
	vm1 =	veq.s32 v2, $0x80000000;
	v2 =	vand.u32 $0x7F, v4  }
0x40: {  	v4 =	vsel vm1, $0xFFFFFFFF, v2;
	v5 =	vsel vm1, $0xFFFFFF80, v3  }
0x41: {  	v2 =	vand.u32 $0x7F, v4;
	v3 =	vand.u32 $0xFFFFFC00, v5;
	v4 =	vand.u32 $0xFFFFFC00, v4  }
0x42: {  	s16 =	sadd.s32 $0x10, s16;
	s18 =	sadd.s32 $0x10, s18;
	v3 =	vadd.s32 v4, v3;
	v4 =	vand.u32 $0x380, v5;
	(ifvalue) =	ssetifvalue $0x7FFFFFFF  }
.Ltmp4:
0x43: {  	_ = 	snop;
	(pc) =	sbr.rel .LBB2_4-.Ltmp4, $1  }
0x44: {  	_ =	sdelay $0x3  }
.LBB2_6:
0x45: {  	_ =	sfence.sel $0x180000  }
0x46: {  	s2 =	simm.s32 $0x2;
	[bflag:$0x0] =	sbarrier.arrive $0xFFFF  }
0x47: {  	s30 =	simm.s32 $0x3;
	[sflag:s2] =	ssyncpa.u1 $0x1  }
0x48: {  	s31 =	simm.s32 $0x1;
	[sflag:s30] =	ssyncpa.u1 $0x1  }
0x49: {  	[sflag:s31] =	ssyncpa.u1 $0x1  }
0x4a: {  	p0 =	sne.s32 s0, $0x0;
	_ =	strace $0x90000047  }
0x4b: {  	s0 =	sadd.s32 @!p0 $0x100000, s1;
	[bflag:$0x2] =	sbarrier.arrive $0xFFFF  }
0x4c: {  	[sflag:s0] =	ssyncadd.tile.s32 @!p0 $0x1;
	_ =	shalt  }
.Lfunc_end2:
_tile_overlayer_lowered:
.L_overlay_start_2:
0x4d: {  	(tag) =	ssettag $0x2  }
0x4e: {  	s0 =	rddreg [dreg:$0x0];
	s2 =	stileid.u32  }
0x4f: {  	s1 =	rddreg [dreg:$0x1];
	p0 =	sne.s32 s2, $0x0  }
0x50: {  	s3 =	rddreg [dreg:$0x2];
	[bflag:$0x3] =	sbarrier.arrive $0xFFFF;
	s2 =	simm.s32 @!p0 $0x1C01  }
0x51: {  	[timem:s3], [sflag:s2] =	dma.local @!p0 [hbm:s0], s1  }
0x52: {  	s0 =	simm.s32 @!p0 $0x1  }
0x53: {  	_ =	swait.ge @!p0 [sflag:s0], s1  }
0x54: {  	s1 =	ssub.s32 @!p0 $0x0, s1;
	[sflag:s0] =	ssyncset.done @!p0 $0x0  }
0x55: {  	[sflag:s0] =	ssyncadd.s32 @!p0 s1  }
0x56: {  	[bflag:$0x3] =	sbarrier.arrive $0xFFFF  }
0x57: {  	_ =	shalt  }

// kernel: gather_offload_async_start
scs
__scs_entry_jumppad:
0x0: {  	(pc) =	sbr.rel $0x88, $3  }
0x1: {  	(tag) =	ssettag $0x0;
	lr =	simm.s32 $0x1  }
0x2: {  	[smem:$0x3F9B] =	sst lr;
	_ =	strace $0xD0000000  }
0x3: {  	_ = 	snop  }
0x4: {  	_ = 	snop  }
0x5: {  	_ = 	snop  }
0x6: {  	_ = 	snop  }
0x7: {  	_ = 	snop  }
__scs_overlays_trampoline_lowered:
0x8: {  	[smem:$0x3FAA] =	sst s0  }
0x9: {  	[smem:$0x3FAB] =	sst s1  }
0xa: {  	[smem:$0x3FAC] =	sst s2  }
0xb: {  	[smem:$0x3FAD] =	sst s3  }
0xc: {  	[smem:$0x3FAE] =	sst s4  }
0xd: {  	[smem:$0x3FAF] =	sst s5  }
0xe: {  	[smem:$0x3FB0] =	sst s6  }
0xf: {  	[smem:$0x3FB1] =	sst s7  }
0x10: {  	[smem:$0x3FB2] =	sst s8  }
0x11: {  	[smem:$0x3FB3] =	sst s9;
	s0 =	simm.s32 @!p0 $0x0  }
0x12: {  	s1 =	sld [smem:$0x3F99];
	s0 =	simm.s32 @p0 $0x1  }
0x13: {  	[smem:$0x3FB4] =	sst s0;
	s0 =	simm.s32 @!p1 $0x0  }
0x14: {  	s2 =	sld [smem:$0x3F98];
	s0 =	simm.s32 @p1 $0x1  }
0x15: {  	[smem:$0x3FB5] =	sst s0;
	s0 =	simm.s32 @!p2 $0x0  }
0x16: {  	s3 =	sld [smem:$0x3FDB];
	s0 =	simm.s32 @p2 $0x1  }
0x17: {  	s4 =	simm.s32 $0x1BF5;
	[smem:$0x3FB7] =	sst s0  }
0x18: {  	s0 =	sld [smem:$0x3F9A];
	_ =	swait.ge [sflag:s4], $0x0  }
0x19: {  	s7 =	sld [smem:$0x3F9B]  }
0x1a: {  	s8 =	sadd.s32 $0xFFFFE003, lr  }
0x1b: {  	s9 =	sadd.s32 $0xFFFFFEF7, lr;
	s5 =	simm.s32 $0xFFFFFFFF;
	p2 =	slt.u32 s8, $0xFFFFF086  }
0x1c: {  	p1 =	slt.u32 s9, $0xF7A;
	s5 =	simm.s32 @!p2 $0x0  }
0x1d: {  	s5 =	simm.s32 @p1 $0x1;
	p0 =	seq.s32 s7, s2  }
0x1e: {  	s7 =	smul.u32 @!p0 $0xF7A, s2;
	p2 =	seq.s32 @!p0 s5, $0x0  }
0x1f: {  	s9 =	smul.u32 $0xF7A, s1;
	s8 =	simm.s32 @!p0 $0x1BF5;
	p2 =	por !p2, p0  }
0x20: {  	[sflag:s8] =	ssyncset.s32 @!p0 $0xFFFFF086;
	s6 =	sadd.s32 @!p0 s3, s7;
	s7 =	simm.s32 @!p0 $0x108  }
0x21: {  	s3 =	sadd.s32 s3, s9;
	s6 =	sadd.s32 @!p0 $0x88, s6;
	s7 =	simm.s32 @p2 $0x1082  }
0x22: {  	[simem:s7], [sflag:s8] =	dma.local @!p0 [hbm:s6], $0xF7A  }
0x23: {  	s9 =	sor.u32 $0xD0000000, s2;
	s6 =	simm.s32 $0x108;
	_ =	swait.ge @!p0 [sflag:s8], $0x0  }
0x24: {  	s3 =	sadd.s32 $0x88, s3;
	s6 =	simm.s32 @!p1 $0x1082;
	[sflag:s4] =	ssyncset.s32 $0xFFFFF086  }
0x25: {  	[simem:s6], [sflag:s4] =	dma.local [hbm:s3], $0xF7A  }
0x26: {  	[smem:$0x3F9B] =	sst s1;
	(tag) =	ssettag s2;
	_ =	strace s9  }
0x27: {  	s1 =	sld [smem:$0x3FAB]  }
0x28: {  	s2 =	sld [smem:$0x3FAC]  }
0x29: {  	s4 =	sld [smem:$0x3FAE]  }
0x2a: {  	p0 =	seq.s32 s5, $0x0;
	s5 =	sld [smem:$0x3FAF]  }
0x2b: {  	s6 =	sld [smem:$0x3FB0]  }
0x2c: {  	s7 =	sld [smem:$0x3FB1]  }
0x2d: {  	s3 =	simm.s32 $0x108;
	s8 =	sld [smem:$0x3FB2]  }
0x2e: {  	s3 =	simm.s32 @!p0 $0x1082;
	s9 =	sld [smem:$0x3FB3]  }
0x2f: {  	lr =	sadd.s32 s0, s3;
	s0 =	sld [smem:$0x3FAA]  }
0x30: {  	s3 =	sld [smem:$0x3FAD]  }
0x31: {  	[smem:$0x3FB6] =	sst s10  }
0x32: {  	s10 =	sld [smem:$0x3FB4];
	_ =	sdelay $0x3  }
0x33: {  	p0 =	seq.s32 s10, $0x1;
	s10 =	sld [smem:$0x3FB6];
	_ =	sdelay $0x3  }
0x34: {  	[smem:$0x3FB6] =	sst s10  }
0x35: {  	s10 =	sld [smem:$0x3FB5];
	_ =	sdelay $0x3  }
0x36: {  	p1 =	seq.s32 s10, $0x1;
	s10 =	sld [smem:$0x3FB6];
	_ =	sdelay $0x3  }
0x37: {  	[smem:$0x3FB6] =	sst s10  }
0x38: {  	s10 =	sld [smem:$0x3FB7]  }
0x39: {  	_ = 	snop;
	(pc) =	sbr.ind lr, $3  }
0x3a: {  	_ = 	snop  }
0x3b: {  	_ = 	snop  }
0x3c: {  	p2 =	seq.s32 s10, $0x1;
	s10 =	sld [smem:$0x3FB6]  }
0x3d: {  	_ =	shalt  }
0x3e: {  	_ =	shalt  }
0x3f: {  	_ =	shalt  }
0x40: {  	_ =	shalt  }
0x41: {  	_ =	shalt  }
0x42: {  	_ =	shalt  }
0x43: {  	_ =	shalt  }
0x44: {  	_ =	shalt  }
0x45: {  	_ =	shalt  }
0x46: {  	_ =	shalt  }
0x47: {  	_ =	shalt  }
0x48: {  	_ =	shalt  }
0x49: {  	_ =	shalt  }
0x4a: {  	_ =	shalt  }
0x4b: {  	_ =	shalt  }
0x4c: {  	_ =	shalt  }
0x4d: {  	_ =	shalt  }
0x4e: {  	_ =	shalt  }
0x4f: {  	_ =	shalt  }
0x50: {  	_ =	shalt  }
0x51: {  	_ =	shalt  }
0x52: {  	_ =	shalt  }
0x53: {  	_ =	shalt  }
0x54: {  	_ =	shalt  }
0x55: {  	_ =	shalt  }
0x56: {  	_ =	shalt  }
0x57: {  	_ =	shalt  }
0x58: {  	_ =	shalt  }
0x59: {  	_ =	shalt  }
0x5a: {  	_ =	shalt  }
0x5b: {  	_ =	shalt  }
0x5c: {  	_ =	shalt  }
0x5d: {  	_ =	shalt  }
0x5e: {  	_ =	shalt  }
0x5f: {  	_ =	shalt  }
0x60: {  	_ =	shalt  }
0x61: {  	_ =	shalt  }
0x62: {  	_ =	shalt  }
0x63: {  	_ =	shalt  }
0x64: {  	_ =	shalt  }
0x65: {  	_ =	shalt  }
0x66: {  	_ =	shalt  }
0x67: {  	_ =	shalt  }
0x68: {  	_ =	shalt  }
0x69: {  	_ =	shalt  }
0x6a: {  	_ =	shalt  }
0x6b: {  	_ =	shalt  }
0x6c: {  	_ =	shalt  }
0x6d: {  	_ =	shalt  }
0x6e: {  	_ =	shalt  }
0x6f: {  	_ =	shalt  }
0x70: {  	_ =	shalt  }
0x71: {  	_ =	shalt  }
0x72: {  	_ =	shalt  }
0x73: {  	_ =	shalt  }
0x74: {  	_ =	shalt  }
0x75: {  	_ =	shalt  }
0x76: {  	_ =	shalt  }
0x77: {  	_ =	shalt  }
0x78: {  	_ =	shalt  }
0x79: {  	_ =	shalt  }
0x7a: {  	_ =	shalt  }
0x7b: {  	_ =	shalt  }
0x7c: {  	_ =	shalt  }
0x7d: {  	_ =	shalt  }
0x7e: {  	_ =	shalt  }
0x7f: {  	_ =	shalt  }
0x80: {  	_ =	shalt  }
0x81: {  	_ =	shalt  }
0x82: {  	_ =	shalt  }
0x83: {  	_ =	shalt  }
0x84: {  	_ =	shalt  }
0x85: {  	_ =	shalt  }
0x86: {  	_ =	shalt  }
0x87: {  	_ =	shalt  }
.Lfunc_end0:
.L_simem_size_0:
called_computation_lowered:
.L_overlay_start_0:
0x88: {  	s2 =	sld [smem:$0x3FD9]  }
0x89: {  	s3 =	sld [smem:$0x3FFE];
	_ =	sdelay $0x1  }
0x8a: {  	s1 =	srdreg.scid  }
0x8b: {  	s0 =	sand.u32 $0x1, s1  }
0x8c: {  	s16 =	sshll.u32 s0, $0xA;
	s2 =	sadd.s32 s3, s2  }
0x8d: {  	s2 =	sadd.s32 s2, s16  }
0x8e: {  	[smem:$0x3FC2] =	sst s2  }
0x8f: {  	_ = 	snop  }
0x90: {  	(tm) =	ssettm $0x1  }
0x91: {  	s17 =	sld [smem:$0x3FFB];
	_ =	sdelay $0x3  }
0x92: {  	_ =	strace s17  }
0x93: {  	s2 =	sld [smem:$0x3FFC];
	_ =	sdelay $0x3  }
0x94: {  	_ =	strace s2  }
0x95: {  	s2 =	sld [smem:$0x3FFD];
	_ =	sdelay $0x3  }
0x96: {  	_ =	strace s2  }
0x97: {  	_ =	strace $0x8FFFFFFF  }
0x98: {  	s18 =	sld [smem:$0x3FDB];
	_ =	sdelay $0x1  }
0x99: {  	s19 =	simm.s32 $_scs_section_size  }
0x9a: {  	s4 =	simm.s32 $_size__tile_overlayer_lowered;
	s5 =	simm.s32 $_tile_overlayer_lowered  }
0x9b: {  	s22 =	simm.s32 $0x1BFF;
	s21 =	sshll.u32 s5, $0x1;
	s2 =	sadd.s32 s19, s18  }
0x9c: {  	s6 =	simm.s32 $0x0;
	s20 =	sshll.u32 s4, $0x1;
	s4 =	sadd.s32 s21, s2  }
0x9d: {  	[timem:s6], [sflag:s22] =	dma.local [hbm:s4], s20  }
0x9e: {  	_ =	swait.ge [sflag:s22], s20  }
0x9f: {  	s3 =	ssub.s32 $0x0, s20;
	[sflag:s22] =	ssyncset.done $0x0  }
0xa0: {  	[sflag:s22] =	ssyncadd.s32 s3;
	_ =	sdelay $0x1  }
0xa1: {  	s23 =	simm.s32 $0x1B8B  }
0xa2: {  	_ =	swait.ge [sflag:s23], $0x1  }
0xa3: {  	[sflag:s23] =	ssyncset.done $0x0  }
0xa4: {  	s25 =	simm.s32 $0x1B8E;
	s24 =	sld [smem:$0x3FFE];
	[sflag:s23] =	ssyncadd.s32 $0xFFFFFFFF  }
0xa5: {  	s26 =	simm.s32 $execute0_lowered;
	[smem:$0x3FD2] =	sst s25  }
0xa6: {  	s4 =	sshll.u32 s26, $0x1;
	_ =	strace $0x80000049;
	[dreg:$0x1] =	wrdreg $0xFFFFFFFF  }
0xa7: {  	s28 =	simm.s32 $_size_execute0_lowered;
	s2 =	sadd.s32 s2, s4;
	[dreg:$0x0] =	wrdreg $0x0  }
0xa8: {  	s4 =	sshll.u32 s28, $0x1;
	[dreg:$0x2] =	wrdreg s2  }
0xa9: {  	[dreg:$0x3] =	wrdreg s4  }
0xaa: {  	[dreg:$0x4] =	wrdreg $0xC0  }
0xab: {  	_ =	task [dreg:s6], $0x5FFFF  }
0xac: {  	[dreg:$0x1] =	wrdreg $0xFFFFFFFF  }
0xad: {  	[dreg:$0x0] =	wrdreg $0x60  }
0xae: {  	[dreg:$0x2] =	wrdreg s24  }
0xaf: {  	[dreg:$0x3] =	wrdreg $0x9  }
0xb0: {  	_ =	task.clear_ibuf [dreg:s6], $0x4FFFF;
	_ =	strace $0x90000049  }
0xb1: {  	s29 =	simm.s32 $0x9;
	_ =	strace $0x8000004B  }
0xb2: {  	_ =	swait.ge [sflag:s29], $0x1  }
0xb3: {  	[sflag:s29] =	ssyncadd.s32 $0xFFFFFFFF  }
0xb4: {  	_ =	strace $0x9000004B  }
0xb5: {  	_ =	sfence  }
0xb6: {  	s30 =	sld [smem:$0x0];
	_ =	sdelay $0x2  }
0xb7: {  	s31 =	sshll.u32 s1, $0xD;
	s1 =	sshrl.u32 s1, $0x2  }
0xb8: {  	s3 =	sand.u32 $0x4000, s31;
	s1 =	sadd.s32 s1, s30  }
0xb9: {  	s0 =	sor.u32 s3, s0;
	s1 =	sshll.u32 s1, $0x11  }
0xba: {  	s0 =	sor.u32 s1, s0  }
0xbb: {  	s0 =	sadd.s32 $0x8F2B, s0  }
0xbc: {  	[sflag:s0] =	ssyncadd.remote.s32 $0x1  }
0xbd: {  	_ =	sfence.sel $0xFFFF  }
0xbe: {  	[dreg:$0x0] =	wrdreg $0xFFFFFFFF;
	(pc) =	sbr.abs _section_cstart, $3  }
0xbf: {  	[dreg:$0x1] =	wrdreg $0xFFFFFFFF  }
0xc0: {  	_ =	task.clear_ibuf [dreg:s6], $0x2FFFF;
	_ =	strace $0x9FFFFFFF  }
0xc1: {  	(tm) =	ssettm $0x7FFFFFFF  }
tec
execute0_lowered:
.L_overlay_start_1:
0x0: {  	(tag) =	ssettag $0x1  }
0x1: {  	s1 =	srdreg.scid  }
0x2: {  	s0 =	stileid.u32;
	s2 =	rddreg [dreg:$0x0];
	s6 =	simm.s32 $0x1  }
0x3: {  	s9 =	simm.s32 $0x1;
	s10 =	simm.s32 $0x3;
	s1 =	sshll.u32 s1, $0x9  }
0x4: {  	s13 =	simm.s32 $0x0;
	s3 =	sshll.u32 s0, $0xA;
	s4 =	sand.u32 $0x200, s1  }
0x5: {  	s12 =	simm.s32 $0x0;
	s5 =	sadd.s32 $0x3000, s2;
	s3 =	sor.u32 s3, s4  }
0x6: {  	s1 =	rddreg [dreg:$0x1];
	_ =	strace $0x8000004A;
	s8 =	ssub.s32 $0x8000, s3  }
.Ltmp0:
0x7: {  	s4 =	sadd.s32 $0x2000, s2;
	s7 =	sand.u32 $0x3E00, s8;
	(pc) =	sbr.rel .LBB2_1-.Ltmp0, $4  }
0x8: {  	[sflag:s6] =	ssyncpa.u1 $0x0;
	s11 =	smov.u32 s3;
	p0 =	sne.s32 s7, $0x0  }
0x9: {  	s8 =	sshrl.u32 s8, $0xE;
	s7 =	simm.s32 $0x2;
	s9 =	simm.s32 @!p0 $0x0  }
0xa: {  	[sflag:s7] =	ssyncpa.u1 $0x0;
	p0 =	por $0x0, $0x0;
	s8 =	sadd.s32 s9, s8  }
0xb: {  	vm0 =	vmmov $0xffff;
	[sflag:s10] =	ssyncpa.u1 $0x0;
	s10 =	simm.s32 $0x0;
	s9 =	sadd.s32 $0x1, s8  }
.LBB2_4:
0xc: {  	v5 =	vshrl.u32 v1, $0x8;
	v6 =	vshll.u32 v1, $0x7  }
0xd: {  	vm1 =	veq.s32 v1, $0x80000000;
	v58 =	vand.u32 $0x7F, v5;
	v59 =	vand.u32 $0x7F80, v6  }
0xe: {  	v1 =	vsel vm1, $0xFFFFFFFF, v58;
	v5 =	vsel vm1, $0xFFFFFF80, v59  }
0xf: {  	v3 =	vor.u32 v4, v3;
	v60 =	vand.u32 $0xFFFFFC00, v5;
	v61 =	vand.u32 $0xFFFFFC00, v1  }
0x10: {  	v2 =	vor.u32 v2, v3;
	v63 =	vand.u32 $0x380, v5;
	v62 =	vadd.s32 v61, v60  }
0x11: {  	v1 =	vand.u32 $0x7F, v1;
	v3 =	vor.u32 v63, v62  }
0x12: {  	v1 =	vor.u32 v1, v3  }
0x13: {  	[tilespmem:s15], [sflag:$0x1] =	stream.indirect_vreg.gather [hbm4b:s4+s10], $0x1, v0, vm0, $0x4038;
	[tilespmem:$0x800] =	vst v63  }
0x14: {  	(ifvalue) =	ssetifvalue $0x7FFFFFFF  }
0x15: {  	[tilespmem:s16], [sflag:$0x1] =	stream.indirect_vreg.gather [hbm4b:s4+s10], $0x1, v2, vm0, $0x4038;
	[tilespmem:$0x800] =	vst v63  }
0x16: {  	s29 =	sadd.s32 $0x10, s16;
	(ifvalue) =	ssetifvalue $0x7FFFFFFF  }
0x17: {  	[tilespmem:s29], [sflag:$0x1] =	stream.indirect_vreg.gather [hbm4b:s4+s10], $0x1, v1, vm0, $0x4038;
	[tilespmem:$0x800] =	vst v63  }
0x18: {  	_ =	swait.ge [sflag:s6], $0x200  }
0x19: {  	s30 =	sshrl.u32 s13, $0x3;
	[sflag:s6] =	ssyncset.done $0x0  }
0x1a: {  	s31 =	sand.u32 $0x7, s13;
	s15 =	sadd.s32 s2, s30;
	[sflag:s6] =	ssyncadd.s32 $0xFFFFFE00  }
0x1b: {  	[hbm4b:s15+s31] =	stream.linear.scatter [tilespmem:s14], [sflag:$0x3], $0x200, $0x38;
	[tilespmem:$0x800] =	vst v63  }
.LBB2_5:
0x1c: {  	s15 =	sadd.s32 $0x4000, s11  }
0x1d: {  	p2 =	sgt.s32 s15, $0x7FFF  }
0x1e: {  	s15 =	smov.u32 @p2 s3;
	p2 =	sne.s32 s12, s9  }
.Ltmp1:
0x1f: {  	p1 =	slt.u32 s12, $0x2;
	(pc) =	sbr.rel @!p2 .LBB2_6-.Ltmp1, $4  }
0x20: {  	s14 =	simm.s32 @!p1 $0x3  }
0x21: {  	s16 =	sadd.s32 $0x1, s12;
	_ =	swait.ge @!p1 [sflag:s14], $0x200  }
0x22: {  	s13 =	smov.u32 s11;
	p0 =	por !p0, !p0;
	[sflag:s14] =	ssyncset.done @!p1 $0x0  }
0x23: {  	s12 =	smov.u32 s16;
	s11 =	smov.u32 s15;
	[sflag:s14] =	ssyncadd.s32 @!p1 $0xFFFFFE00  }
.LBB2_1:
0x24: {  	p1 =	sge.u32 s12, s8  }
0x25: {  	s14 =	sxor.u32 @!p1 $0xFFFFFFFF, s12  }
0x26: {  	s31 =	sadd.s32 $0xFFFFFFFF, s12;
	s15 =	sshrl.u32 @!p1 s11, $0x3;
	s14 =	sshll.u32 @!p1 s14, $0x9  }
0x27: {  	s16 =	sand.u32 @!p1 $0x7, s11;
	s15 =	sadd.s32 @!p1 s5, s15;
	s14 =	sand.u32 @!p1 $0x200, s14  }
0x28: {  	[tilespmem:s14], [sflag:$0x2] =	stream.linear.gather @!p1 [hbm4b:s15+s16], $0x200, $0x38;
	[tilespmem:$0x800] =	vst v63  }
0x29: {  	p1 =	sge.u32 s31, s8  }
.Ltmp2:
0x2a: {  	_ = 	snop;
	(pc) =	sbr.rel @p1 .LBB2_5-.Ltmp2, $1  }
0x2b: {  	_ =	sdelay $0x3  }
0x2c: {  	s14 =	simm.s32 $0x1  }
0x2d: {  	_ =	swait.ge [sflag:s7], $0x200;
	s14 =	simm.s32 @!p0 $0x0  }
0x2e: {  	[sflag:s7] =	ssyncset.done $0x0;
	s14 =	sshll.u32 s14, $0x9  }
0x2f: {  	[sflag:s7] =	ssyncadd.s32 $0xFFFFFE00;
	(ifvalue) =	ssetifvalue $0x7FFFFFFF;
	v0 =	vld.msk [tilespmem:s14+$0x0 ss:$0x1], $0xffff;
	_ =	sdelay $0x4  }
0x30: {  	s15 =	sadd.s32 $0x10, s14;
	v2 =	vshrl.u32 v0, $0x8;
	v3 =	vshll.u32 v0, $0x7  }
0x31: {  	v1 =	vld.msk [tilespmem:s15+$0x0 ss:$0x1], $0xffff;
	vm1 =	veq.s32 v0, $0x80000000;
	v0 =	vand.u32 $0x7F, v2;
	v2 =	vand.u32 $0x7F80, v3  }
0x32: {  	v0 =	vsel vm1, $0xFFFFFFFF, v0;
	v2 =	vsel vm1, $0xFFFFFF80, v2  }
0x33: {  	v3 =	vand.u32 $0xFFFFFC00, v2;
	v4 =	vand.u32 $0xFFFFFC00, v0  }
0x34: {  	v2 =	vand.u32 $0x380, v2;
	v3 =	vadd.s32 v4, v3  }
0x35: {  	v0 =	vand.u32 $0x7F, v0;
	v2 =	vor.u32 v2, v3  }
0x36: {  	v5 =	vshll.u32 v1, $0x7;
	v4 =	vshrl.u32 v1, $0x8;
	v0 =	vor.u32 v0, v2  }
0x37: {  	s16 =	sshll.u32 s12, $0x9;
	vm1 =	veq.s32 v1, $0x80000000;
	v1 =	vand.u32 $0x7F, v4;
	v4 =	vand.u32 $0x7F80, v5  }
0x38: {  	s16 =	sand.u32 $0x200, s16;
	s18 =	sadd.s32 $0x10, s15;
	v3 =	vsel vm1, $0xFFFFFFFF, v1;
	v4 =	vsel vm1, $0xFFFFFF80, v4  }
0x39: {  	s17 =	simm.s32 $0x20;
	s15 =	sor.u32 $0x400, s14;
	s14 =	sor.u32 $0x400, s16;
	v1 =	vld.msk [tilespmem:s18+$0x0 ss:$0x1], $0xffff;
	v5 =	vand.u32 $0xFFFFFC00, v4;
	v6 =	vand.u32 $0xFFFFFC00, v3  }
0x3a: {  	s16 =	sadd.s32 $0x10, s15;
	s18 =	sadd.s32 $0x10, s18;
	(ifvalue) =	ssetifvalue $0x7FFFFFFF;
	v2 =	vand.u32 $0x7F, v3;
	v4 =	vand.u32 $0x380, v4;
	v3 =	vadd.s32 v6, v5  }
.LBB2_3:
0x3b: {  	[tilespmem:s15], [sflag:$0x1] =	stream.indirect_vreg.gather [hbm4b:s4+s10], $0x1, v0, vm0, $0x4038;
	[tilespmem:$0x800] =	vst v63  }
0x3c: {  	s17 =	sadd.s32 $0x10, s17  }
0x3d: {  	v3 =	vor.u32 v4, v3;
	p1 =	slt.u32 s17, $0x1F0  }
.Ltmp3:
0x3e: {  	v4 =	vshrl.u32 v1, $0x8;
	v5 =	vshll.u32 v1, $0x7;
	s15 =	smov.u32 s16;
	v0 =	vor.u32 v2, v3;
	v2 =	vmovc v1;
	v1 =	vld.msk [tilespmem:s18+$0x0 ss:$0x1], $0xffff;
	(pc) =	sbr.rel @p1 .LBB2_3-.Ltmp3, $4  }
0x3f: {  	v3 =	vand.u32 $0x7F80, v5;
	vm1 =	veq.s32 v2, $0x80000000;
	v2 =	vand.u32 $0x7F, v4  }
0x40: {  	v4 =	vsel vm1, $0xFFFFFFFF, v2;
	v5 =	vsel vm1, $0xFFFFFF80, v3  }
0x41: {  	v2 =	vand.u32 $0x7F, v4;
	v3 =	vand.u32 $0xFFFFFC00, v5;
	v4 =	vand.u32 $0xFFFFFC00, v4  }
0x42: {  	s16 =	sadd.s32 $0x10, s16;
	s18 =	sadd.s32 $0x10, s18;
	v3 =	vadd.s32 v4, v3;
	v4 =	vand.u32 $0x380, v5;
	(ifvalue) =	ssetifvalue $0x7FFFFFFF  }
.Ltmp4:
0x43: {  	_ = 	snop;
	(pc) =	sbr.rel .LBB2_4-.Ltmp4, $1  }
0x44: {  	_ =	sdelay $0x3  }
.LBB2_6:
0x45: {  	_ =	sfence.sel $0x180000  }
0x46: {  	s2 =	simm.s32 $0x2;
	[bflag:$0x0] =	sbarrier.arrive $0xFFFF  }
0x47: {  	s30 =	simm.s32 $0x3;
	[sflag:s2] =	ssyncpa.u1 $0x1  }
0x48: {  	s31 =	simm.s32 $0x1;
	[sflag:s30] =	ssyncpa.u1 $0x1  }
0x49: {  	[sflag:s31] =	ssyncpa.u1 $0x1  }
0x4a: {  	p0 =	sne.s32 s0, $0x0;
	_ =	strace $0x9000004A  }
0x4b: {  	s0 =	sadd.s32 @!p0 $0x100000, s1;
	[bflag:$0x2] =	sbarrier.arrive $0xFFFF  }
0x4c: {  	[sflag:s0] =	ssyncadd.tile.s32 @!p0 $0x1;
	_ =	shalt  }
.Lfunc_end2:
_tile_overlayer_lowered:
.L_overlay_start_2:
0x4d: {  	(tag) =	ssettag $0x2  }
0x4e: {  	s0 =	rddreg [dreg:$0x0];
	s2 =	stileid.u32  }
0x4f: {  	s1 =	rddreg [dreg:$0x1];
	p0 =	sne.s32 s2, $0x0  }
0x50: {  	s3 =	rddreg [dreg:$0x2];
	[bflag:$0x3] =	sbarrier.arrive $0xFFFF;
	s2 =	simm.s32 @!p0 $0x1C01  }
0x51: {  	[timem:s3], [sflag:s2] =	dma.local @!p0 [hbm:s0], s1  }
0x52: {  	s0 =	simm.s32 @!p0 $0x1  }
0x53: {  	_ =	swait.ge @!p0 [sflag:s0], s1  }
0x54: {  	s1 =	ssub.s32 @!p0 $0x0, s1;
	[sflag:s0] =	ssyncset.done @!p0 $0x0  }
0x55: {  	[sflag:s0] =	ssyncadd.s32 @!p0 s1  }
0x56: {  	[bflag:$0x3] =	sbarrier.arrive $0xFFFF  }
0x57: {  	_ =	shalt  }

</sc_bundles>
